<compile_context>
chip_gen: v7x
topology: tpu7x:2x2x1
jax: 0.10.2.dev20260603
libtpu: 0.0.44.dev20260713+nightly
codegen_flags: <defaults>
</compile_context>

<pallas_src>
import functools

import jax
import jax.numpy as jnp
from jax import lax
from jax.experimental import pallas as pl
from jax.experimental.pallas import tpu as pltpu
from jax.experimental.pallas import tpu_sc as plsc

N_NODES = 10000
N_EDGES = 320000
D = 128

NC = 2
NS = 16
NW = NC * NS
CHUNK = 128
N_CHUNKS = N_EDGES // CHUNK
N_PAD = 10240
ROWS_PER_TILE = N_PAD // NS
ROW_BLK = 128
DEG_PAD = 16384
DEG_PER_TILE = DEG_PAD // NS

_mesh = plsc.VectorSubcoreMesh(core_axis_name="c", subcore_axis_name="s")


def _deg_body(col_hbm, out_hbm, col_v, ones_v, zbuf, acc):
  c = lax.axis_index("c")
  s = lax.axis_index("s")
  wid = c * NS + s

  def _fill(i, _):
    zbuf[pl.ds(i * 16, 16)] = jnp.zeros((16,), jnp.float32)
    return 0
  lax.fori_loop(0, DEG_PER_TILE // 16, _fill, 0)

  def _fill1(i, _):
    ones_v[pl.ds(i * 16, 16)] = jnp.ones((16,), jnp.float32)
    return 0
  lax.fori_loop(0, CHUNK // 16, _fill1, 0)

  pltpu.sync_copy(zbuf, acc.at[pl.ds(s * DEG_PER_TILE, DEG_PER_TILE)])
  plsc.subcore_barrier()

  nmine = jnp.where(wid < N_CHUNKS % NW, N_CHUNKS // NW + 1, N_CHUNKS // NW)

  def _body(i, _):
    base = (wid + i * NW) * CHUNK
    pltpu.sync_copy(col_hbm.at[pl.ds(base, CHUNK)], col_v)
    pltpu.sync_copy(ones_v, acc.at[col_v], add=True)
    return 0
  lax.fori_loop(0, nmine, _body, 0)

  plsc.subcore_barrier()
  pltpu.sync_copy(acc.at[pl.ds(s * DEG_PER_TILE, DEG_PER_TILE)], zbuf)
  pltpu.sync_copy(zbuf, out_hbm.at[c, 0, pl.ds(s * DEG_PER_TILE, DEG_PER_TILE)])


_deg_call = pl.kernel(
    _deg_body,
    out_type=jax.ShapeDtypeStruct((NC, 1, DEG_PAD), jnp.float32),
    mesh=_mesh,
    scratch_types=[
        pltpu.VMEM((CHUNK,), jnp.int32),
        pltpu.VMEM((CHUNK,), jnp.float32),
        pltpu.VMEM((DEG_PER_TILE,), jnp.float32),
        pltpu.VMEM_SHARED((DEG_PAD,), jnp.float32),
    ],
)


def _scatter_body(xws_hbm, row_hbm, col_hbm, out_hbm,
                  row_v0, col_v0, row_v1, col_v1, g0, g1, acc,
                  sg0, sg1, sa, sb):
  c = lax.axis_index("c")
  s = lax.axis_index("s")
  wid = c * NS + s

  def _zr(i, _):
    def _zc(j, _):
      g0[i, pl.ds(j * 16, 16)] = jnp.zeros((16,), jnp.float32)
      return 0
    lax.fori_loop(0, D // 16, _zc, 0)
    return 0
  lax.fori_loop(0, ROW_BLK, _zr, 0)

  def _zz(k, _):
    pltpu.sync_copy(g0, acc.at[pl.ds(s * ROWS_PER_TILE + k * ROW_BLK, ROW_BLK)])
    return 0
  lax.fori_loop(0, ROWS_PER_TILE // ROW_BLK, _zz, 0)
  plsc.subcore_barrier()

  def _body(i, _):
    b0 = (wid + (2 * i) * NW) * CHUNK
    b1 = (wid + (2 * i + 1) * NW) * CHUNK
    pltpu.sync_copy(row_hbm.at[pl.ds(b0, CHUNK)], row_v0)
    pltpu.sync_copy(col_hbm.at[pl.ds(b0, CHUNK)], col_v0)
    pltpu.async_copy(xws_hbm.at[row_v0], g0, sg0).wait()
    da = pltpu.async_copy(g0, acc.at[col_v0], sa, add=True)
    pltpu.sync_copy(row_hbm.at[pl.ds(b1, CHUNK)], row_v1)
    pltpu.sync_copy(col_hbm.at[pl.ds(b1, CHUNK)], col_v1)
    pltpu.async_copy(xws_hbm.at[row_v1], g1, sg1).wait()
    da.wait()
    db = pltpu.async_copy(g1, acc.at[col_v1], sb, add=True)
    db.wait()
    return 0
  lax.fori_loop(0, (N_CHUNKS // NW) // 2, _body, 0)

  @pl.when(wid < N_CHUNKS % NW)
  def _tail():
    base = (wid + (N_CHUNKS // NW) * NW) * CHUNK
    pltpu.sync_copy(row_hbm.at[pl.ds(base, CHUNK)], row_v0)
    pltpu.sync_copy(col_hbm.at[pl.ds(base, CHUNK)], col_v0)
    pltpu.async_copy(xws_hbm.at[row_v0], g0, sg0).wait()
    pltpu.sync_copy(g0, acc.at[col_v0], add=True)

  plsc.subcore_barrier()

  def _wout(k, _):
    r0 = s * ROWS_PER_TILE + k * ROW_BLK
    pltpu.sync_copy(acc.at[pl.ds(r0, ROW_BLK)], g0)
    pltpu.sync_copy(g0, out_hbm.at[c, pl.ds(r0, ROW_BLK)])
    return 0
  lax.fori_loop(0, ROWS_PER_TILE // ROW_BLK, _wout, 0)


_scatter_call = pl.kernel(
    _scatter_body,
    out_type=jax.ShapeDtypeStruct((NC, N_PAD, D), jnp.float32),
    mesh=_mesh,
    scratch_types=[
        pltpu.VMEM((CHUNK,), jnp.int32),
        pltpu.VMEM((CHUNK,), jnp.int32),
        pltpu.VMEM((CHUNK,), jnp.int32),
        pltpu.VMEM((CHUNK,), jnp.int32),
        pltpu.VMEM((CHUNK, D), jnp.float32),
        pltpu.VMEM((CHUNK, D), jnp.float32),
        pltpu.VMEM_SHARED((N_PAD, D), jnp.float32),
        pltpu.SemaphoreType.DMA,
        pltpu.SemaphoreType.DMA,
        pltpu.SemaphoreType.DMA,
        pltpu.SemaphoreType.DMA,
    ],
)

BM = 2000
GRID = N_NODES // BM


def _tc_pre_body(deg_ref, x_ref, w_ref, xws_ref, dinv_ref):
  deg = deg_ref[0] + deg_ref[1] + 1.0
  dinv = lax.rsqrt(deg)
  dinv_ref[...] = dinv
  xw = jnp.dot(x_ref[...], w_ref[...], preferred_element_type=jnp.float32)
  xws_ref[...] = xw * dinv


_tc_pre = pl.pallas_call(
    _tc_pre_body,
    grid=(GRID,),
    in_specs=[
        pl.BlockSpec((NC, BM, 1), lambda i: (0, i, 0)),
        pl.BlockSpec((BM, D), lambda i: (i, 0)),
        pl.BlockSpec((D, D), lambda i: (0, 0)),
    ],
    out_specs=[
        pl.BlockSpec((BM, D), lambda i: (i, 0)),
        pl.BlockSpec((BM, 1), lambda i: (i, 0)),
    ],
    out_shape=[
        jax.ShapeDtypeStruct((N_NODES, D), jnp.float32),
        jax.ShapeDtypeStruct((N_NODES, 1), jnp.float32),
    ],
)


def _tc_mid_body(p0_ref, p1_ref, xws_ref, dinv_ref, b_ref, w_ref, out_ref):
  dinv = dinv_ref[...]
  h = dinv * (p0_ref[0] + p1_ref[0] + xws_ref[...]) + b_ref[...]
  h = jnp.maximum(h, 0.0)
  hw = jnp.dot(h, w_ref[...], preferred_element_type=jnp.float32)
  out_ref[...] = hw * dinv


_tc_mid = pl.pallas_call(
    _tc_mid_body,
    grid=(GRID,),
    in_specs=[
        pl.BlockSpec((1, BM, D), lambda i: (0, i, 0)),
        pl.BlockSpec((1, BM, D), lambda i: (1, i, 0)),
        pl.BlockSpec((BM, D), lambda i: (i, 0)),
        pl.BlockSpec((BM, 1), lambda i: (i, 0)),
        pl.BlockSpec((1, D), lambda i: (0, 0)),
        pl.BlockSpec((D, D), lambda i: (0, 0)),
    ],
    out_specs=pl.BlockSpec((BM, D), lambda i: (i, 0)),
    out_shape=jax.ShapeDtypeStruct((N_NODES, D), jnp.float32),
)


def _tc_post_body(p0_ref, p1_ref, xws_ref, dinv_ref, b_ref, out_ref):
  h = dinv_ref[...] * (p0_ref[0] + p1_ref[0] + xws_ref[...]) + b_ref[...]
  out_ref[...] = jnp.maximum(h, 0.0)


_tc_post = pl.pallas_call(
    _tc_post_body,
    grid=(GRID,),
    in_specs=[
        pl.BlockSpec((1, BM, D), lambda i: (0, i, 0)),
        pl.BlockSpec((1, BM, D), lambda i: (1, i, 0)),
        pl.BlockSpec((BM, D), lambda i: (i, 0)),
        pl.BlockSpec((BM, 1), lambda i: (i, 0)),
        pl.BlockSpec((1, D), lambda i: (0, 0)),
    ],
    out_specs=pl.BlockSpec((BM, D), lambda i: (i, 0)),
    out_shape=jax.ShapeDtypeStruct((N_NODES, D), jnp.float32),
)


@jax.jit
def kernel(x, edge_index, W1, b1, W2, b2):
  ei = edge_index.astype(jnp.int32)
  row = ei[0]
  col = ei[1]
  b1r = b1.reshape(1, D)
  b2r = b2.reshape(1, D)

  deg_p = _deg_call(col)
  deg3 = deg_p[:, 0, :N_NODES, None]
  xws1, dinv = _tc_pre(deg3, x, W1)
  acc1 = _scatter_call(xws1, row, col)
  xws2 = _tc_mid(acc1, acc1, xws1, dinv, b1r, W2)
  acc2 = _scatter_call(xws2, row, col)
  return _tc_post(acc2, acc2, xws2, dinv, b2r)

# --- scband reference (transcript-rebuilt; emitter-appended) ---
"""Pipeline reference for scband-territory-gnn-84189948936883 (READ-ONLY COPY).

The authoritative reference and input builder live on the scoring server;
editing this copy changes nothing except your own understanding.
"""

import jax, jax.numpy as jnp
import numpy as np

N_NODES = 10000
N_EDGES = 320000
D_IN = 128
D_HID = 128


def setup_inputs(seed: int = 0) -> dict:
    key = jax.random.key(seed)
    k1, k2, k3, k4, k5, k6 = jax.random.split(key, 6)
    x = jax.random.normal(k1, (N_NODES, D_IN), dtype=jnp.float32)
    edge_index = jax.random.randint(k2, (2, N_EDGES), 0, N_NODES, dtype=jnp.int64)
    # Glorot init like PyG GCNConv
    s1 = float(np.sqrt(6.0 / (D_IN + D_HID)))
    s2 = float(np.sqrt(6.0 / (D_HID + D_HID)))
    W1 = jax.random.uniform(k3, (D_IN, D_HID), dtype=jnp.float32, minval=-s1, maxval=s1)
    b1 = jnp.zeros((D_HID,), dtype=jnp.float32)
    W2 = jax.random.uniform(k4, (D_HID, D_HID), dtype=jnp.float32, minval=-s2, maxval=s2)
    b2 = jnp.zeros((D_HID,), dtype=jnp.float32)
    return {"x": x, "edge_index": edge_index, "W1": W1, "b1": b1, "W2": W2, "b2": b2}


def _gcn_conv(x, row, col, W, b, num_nodes):
    # GCNConv: D^{-1/2} (A + I) D^{-1/2} X W + b, with self-loops added
    loop = jnp.arange(num_nodes, dtype=row.dtype)
    row_sl = jnp.concatenate([row, loop])
    col_sl = jnp.concatenate([col, loop])
    deg = jnp.zeros((num_nodes,), dtype=x.dtype).at[col_sl].add(1.0)
    deg_inv_sqrt = jnp.where(deg > 0, jax.lax.rsqrt(deg), 0.0)
    norm = deg_inv_sqrt[row_sl] * deg_inv_sqrt[col_sl]
    xw = x @ W
    msg = jnp.take(xw, row_sl, axis=0) * norm[:, None]
    out = jnp.zeros((num_nodes, xw.shape[1]), dtype=xw.dtype).at[col_sl].add(msg)
    return out + b


def reference(x, edge_index, W1, b1, W2, b2):
    row = edge_index[0]
    col = edge_index[1]
    n = x.shape[0]
    h = jax.nn.relu(_gcn_conv(x, row, col, W1, b1, n))
    h = jax.nn.relu(_gcn_conv(h, row, col, W2, b2, n))
    return h

if __name__ == "__main__":
    import jax
    _d = setup_inputs()
    print(jax.jit(kernel)(*tuple(_d.values())))

</pallas_src>

<mosaic_0001>
#map = affine_map<(d0, d1) -> (0, 0)>
#map1 = affine_map<(d0, d1) -> (0)>
#map2 = affine_map<(d0, d1) -> (0, 0, 0)>
module attributes {stable_mosaic.version = 14 : i64} {
  func.func @_scatter_body(%arg0: i32, %arg1: i32, %arg2: memref<10000x128xf32, #tpu.memory_space<hbm>>, %arg3: memref<320000xi32, #tpu.memory_space<hbm>>, %arg4: memref<320000xi32, #tpu.memory_space<hbm>>, %arg5: memref<2x10240x128xf32, #tpu.memory_space<hbm>>, %arg6: memref<128xi32, #tpu.memory_space<vmem>>, %arg7: memref<128xi32, #tpu.memory_space<vmem>>, %arg8: memref<128xi32, #tpu.memory_space<vmem>>, %arg9: memref<128xi32, #tpu.memory_space<vmem>>, %arg10: memref<128x128xf32, #tpu.memory_space<vmem>>, %arg11: memref<128x128xf32, #tpu.memory_space<vmem>>, %arg12: memref<10240x128xf32, #tpu.memory_space<vmem_shared>>, %arg13: memref<!tpu.dma_semaphore, #tpu.memory_space<semaphore_mem>>, %arg14: memref<!tpu.dma_semaphore, #tpu.memory_space<semaphore_mem>>, %arg15: memref<!tpu.dma_semaphore, #tpu.memory_space<semaphore_mem>>, %arg16: memref<!tpu.dma_semaphore, #tpu.memory_space<semaphore_mem>>) attributes {dimension_semantics = [#tpu.dimension_semantics<core_parallel>, #tpu.dimension_semantics<subcore_parallel>], iteration_bounds = array<i64: 2, 16>, scalar_prefetch = 0 : i64, scratch_operands = 11 : i64, tpu.core_type = #tpu.core_type<sc_vector_subcore>, window_params = [{transform_indices = #map}, {transform_indices = #map1}, {transform_indices = #map1}, {transform_indices = #map2}]} {
    %mul3A = arith.constant 16 : i32
    %mul3A_0 = arith.muli %arg0, %mul3A : i32
    %add3A = arith.addi %mul3A_0, %arg1 : i32
    %scan3A = arith.constant 0 : i32
    %scan3A_1 = arith.constant 0 : i32
    %scan3A_2 = arith.constant 128 : i32
    %scan3A_3 = arith.addi %scan3A_1, %scan3A_2 : i32
    %scan3A_4 = arith.constant 1 : i32
    %scan3A_5 = scf.for %scan3A_31 = %scan3A_1 to %scan3A_3 step %scan3A_4 iter_args(%scan3A_32 = %scan3A) -> (i32)  : i32 {
      %scan3A_33 = arith.constant 0 : i32
      %scan3A_34 = arith.constant 0 : i32
      %scan3A_35 = arith.constant 8 : i32
      %scan3A_36 = arith.addi %scan3A_34, %scan3A_35 : i32
      %scan3A_37 = arith.constant 1 : i32
      %scan3A_38 = scf.for %scan3A_41 = %scan3A_34 to %scan3A_36 step %scan3A_37 iter_args(%scan3A_42 = %scan3A_33) -> (i32)  : i32 {
        %broadcast_in_dim3A = arith.constant 0.000000e+00 : f32
        %broadcast_in_dim3A_43 = vector.broadcast %broadcast_in_dim3A : f32 to vector<16xf32>
        %mul3A_44 = arith.constant 16 : i32
        %mul3A_45 = arith.muli %scan3A_41, %mul3A_44 : i32
        %swap3A = arith.index_cast %scan3A_31 : i32 to index
        %swap3A_46 = arith.index_cast %mul3A_45 : i32 to index
        %swap3A_47 = tpu.vector_load %arg10[%swap3A, %swap3A_46] {strides = array<i32>} : memref<128x128xf32, #tpu.memory_space<vmem>>, vector<1x16xf32>,
        %swap3A_48 = vector.shape_cast %swap3A_47 : vector<1x16xf32> to vector<16xf32>
        %swap3A_49 = vector.shape_cast %broadcast_in_dim3A_43 : vector<16xf32> to vector<1x16xf32>
        tpu.vector_store %arg10[%swap3A, %swap3A_46], %swap3A_49 {strides = array<i32>} : memref<128x128xf32, #tpu.memory_space<vmem>>, vector<1x16xf32>,
        %scan3A_50 = arith.constant 0 : i32
        scf.yield %scan3A_50 : i32
      }
      %scan3A_39 = arith.constant 8 : i32
      %scan3A_40 = arith.constant 0 : i32
      scf.yield %scan3A_40 : i32
    }
    %scan3A_6 = arith.constant 128 : i32
    %scan3A_7 = arith.constant 0 : i32
    %scan3A_8 = arith.constant 0 : i32
    %scan3A_9 = arith.constant 5 : i32
    %scan3A_10 = arith.addi %scan3A_8, %scan3A_9 : i32
    %scan3A_11 = arith.constant 1 : i32
    %scan3A_12 = scf.for %scan3A_31 = %scan3A_8 to %scan3A_10 step %scan3A_11 iter_args(%scan3A_32 = %scan3A_7) -> (i32)  : i32 {
      %mul3A_33 = arith.constant 640 : i32
      %mul3A_34 = arith.muli %arg1, %mul3A_33 : i32
      %mul3A_35 = arith.constant 128 : i32
      %mul3A_36 = arith.muli %scan3A_31, %mul3A_35 : i32
      %add3A_37 = arith.addi %mul3A_34, %mul3A_36 : i32
      "tpu.region"() ({
        %run_scoped3A = tpu.sem_alloc : memref<!tpu.dma_semaphore, #tpu.memory_space<semaphore_mem>>
        %dma_start3A = arith.constant 0 : i32
        %dma_start3A_39 = tpu.memref_slice %arg12[%add3A_37, %dma_start3A] : memref<10240x128xf32, #tpu.memory_space<vmem_shared>> -> memref<128x128xf32, #tpu.memory_space<vmem_shared>>
        %dma_start3A_40 = arith.constant 0 : i32
        %dma_start3A_41 = tpu.memref_slice %arg12[%add3A_37, %dma_start3A_40] : memref<10240x128xf32, #tpu.memory_space<vmem_shared>> -> memref<128x128xf32, #tpu.memory_space<vmem_shared>>
        tpu.enqueue_dma source(%arg10 : memref<128x128xf32, #tpu.memory_space<vmem>>) target(%dma_start3A_41 : memref<128x128xf32, #tpu.memory_space<vmem_shared>>) target_semaphore(%run_scoped3A : memref<!tpu.dma_semaphore, #tpu.memory_space<semaphore_mem>>)
        %dma_wait3A = arith.constant 0 : i32
        %dma_wait3A_42 = tpu.memref_slice %arg12[%add3A_37, %dma_wait3A] : memref<10240x128xf32, #tpu.memory_space<vmem_shared>> -> memref<128x128xf32, #tpu.memory_space<vmem_shared>>
        %dma_wait3A_43 = arith.constant 0 : i32
        %dma_wait3A_44 = tpu.memref_slice %arg12[%add3A_37, %dma_wait3A_43] : memref<10240x128xf32, #tpu.memory_space<vmem_shared>> -> memref<128x128xf32, #tpu.memory_space<vmem_shared>>
        tpu.wait_dma2 semaphore(%run_scoped3A : memref<!tpu.dma_semaphore, #tpu.memory_space<semaphore_mem>>) src(%arg10 : memref<128x128xf32, #tpu.memory_space<vmem>>) dst(%dma_wait3A_44 : memref<128x128xf32, #tpu.memory_space<vmem_shared>>)
        tpu.yield
      }) : () -> ()
      %scan3A_38 = arith.constant 0 : i32
      scf.yield %scan3A_38 : i32
    }
    %scan3A_13 = arith.constant 5 : i32
    %barrier3A = arith.constant 0 : index
    tpu.barrier barrier_id(%barrier3A)
    %scan3A_14 = arith.constant 0 : i32
    %scan3A_15 = arith.constant 0 : i32
    %scan3A_16 = arith.constant 39 : i32
    %scan3A_17 = arith.addi %scan3A_15, %scan3A_16 : i32
    %scan3A_18 = arith.constant 1 : i32
    %scan3A_19 = scf.for %scan3A_31 = %scan3A_15 to %scan3A_17 step %scan3A_18 iter_args(%scan3A_32 = %scan3A_14) -> (i32)  : i32 {
      %mul3A_33 = arith.constant 2 : i32
      %mul3A_34 = arith.muli %mul3A_33, %scan3A_31 : i32
      %mul3A_35 = arith.constant 32 : i32
      %mul3A_36 = arith.muli %mul3A_34, %mul3A_35 : i32
      %add3A_37 = arith.addi %add3A, %mul3A_36 : i32
      %mul3A_38 = arith.constant 128 : i32
      %mul3A_39 = arith.muli %add3A_37, %mul3A_38 : i32
      %mul3A_40 = arith.constant 2 : i32
      %mul3A_41 = arith.muli %mul3A_40, %scan3A_31 : i32
      %add3A_42 = arith.constant 1 : i32
      %add3A_43 = arith.addi %mul3A_41, %add3A_42 : i32
      %mul3A_44 = arith.constant 32 : i32
      %mul3A_45 = arith.muli %add3A_43, %mul3A_44 : i32
      %add3A_46 = arith.addi %add3A, %mul3A_45 : i32
      %mul3A_47 = arith.constant 128 : i32
      %mul3A_48 = arith.muli %add3A_46, %mul3A_47 : i32
      "tpu.region"() ({
        %run_scoped3A = tpu.sem_alloc : memref<!tpu.dma_semaphore, #tpu.memory_space<semaphore_mem>>
        %dma_start3A_72 = tpu.memref_slice %arg3[%mul3A_39] : memref<320000xi32, #tpu.memory_space<hbm>> -> memref<128xi32, #tpu.memory_space<hbm>>
        %dma_start3A_73 = tpu.memref_slice %arg3[%mul3A_39] : memref<320000xi32, #tpu.memory_space<hbm>> -> memref<128xi32, #tpu.memory_space<hbm>>
        tpu.enqueue_dma source(%dma_start3A_73 : memref<128xi32, #tpu.memory_space<hbm>>) target(%arg6 : memref<128xi32, #tpu.memory_space<vmem>>) target_semaphore(%run_scoped3A : memref<!tpu.dma_semaphore, #tpu.memory_space<semaphore_mem>>)
        %dma_wait3A_74 = tpu.memref_slice %arg3[%mul3A_39] : memref<320000xi32, #tpu.memory_space<hbm>> -> memref<128xi32, #tpu.memory_space<hbm>>
        %dma_wait3A_75 = tpu.memref_slice %arg3[%mul3A_39] : memref<320000xi32, #tpu.memory_space<hbm>> -> memref<128xi32, #tpu.memory_space<hbm>>
        tpu.wait_dma2 semaphore(%run_scoped3A : memref<!tpu.dma_semaphore, #tpu.memory_space<semaphore_mem>>) src(%dma_wait3A_75 : memref<128xi32, #tpu.memory_space<hbm>>) dst(%arg6 : memref<128xi32, #tpu.memory_space<vmem>>)
        tpu.yield
      }) : () -> ()
      "tpu.region"() ({
        %run_scoped3A = tpu.sem_alloc : memref<!tpu.dma_semaphore, #tpu.memory_space<semaphore_mem>>
        %dma_start3A_72 = tpu.memref_slice %arg4[%mul3A_39] : memref<320000xi32, #tpu.memory_space<hbm>> -> memref<128xi32, #tpu.memory_space<hbm>>
        %dma_start3A_73 = tpu.memref_slice %arg4[%mul3A_39] : memref<320000xi32, #tpu.memory_space<hbm>> -> memref<128xi32, #tpu.memory_space<hbm>>
        tpu.enqueue_dma source(%dma_start3A_73 : memref<128xi32, #tpu.memory_space<hbm>>) target(%arg7 : memref<128xi32, #tpu.memory_space<vmem>>) target_semaphore(%run_scoped3A : memref<!tpu.dma_semaphore, #tpu.memory_space<semaphore_mem>>)
        %dma_wait3A_74 = tpu.memref_slice %arg4[%mul3A_39] : memref<320000xi32, #tpu.memory_space<hbm>> -> memref<128xi32, #tpu.memory_space<hbm>>
        %dma_wait3A_75 = tpu.memref_slice %arg4[%mul3A_39] : memref<320000xi32, #tpu.memory_space<hbm>> -> memref<128xi32, #tpu.memory_space<hbm>>
        tpu.wait_dma2 semaphore(%run_scoped3A : memref<!tpu.dma_semaphore, #tpu.memory_space<semaphore_mem>>) src(%dma_wait3A_75 : memref<128xi32, #tpu.memory_space<hbm>>) dst(%arg7 : memref<128xi32, #tpu.memory_space<vmem>>)
        tpu.yield
      }) : () -> ()
      %dma_start3A = arith.constant 0 : i32
      %dma_start3A_49 = arith.constant 0 : i32
      %dma_start3A_50 = tpu.memref_slice %arg2[%dma_start3A, %dma_start3A_49] : memref<10000x128xf32, #tpu.memory_space<hbm>> -> memref<10000x128xf32, #tpu.memory_space<hbm>>
      tpu.enqueue_indirect_dma source(%dma_start3A_50 : memref<10000x128xf32, #tpu.memory_space<hbm>>) target(%arg10 : memref<128x128xf32, #tpu.memory_space<vmem>>) offsets(%arg6 : memref<128xi32, #tpu.memory_space<vmem>>) semaphore(%arg13 : memref<!tpu.dma_semaphore, #tpu.memory_space<semaphore_mem>>)
      %dma_wait3A = arith.constant 0 : i32
      %dma_wait3A_51 = arith.constant 0 : i32
      %dma_wait3A_52 = tpu.memref_slice %arg2[%dma_wait3A, %dma_wait3A_51] : memref<10000x128xf32, #tpu.memory_space<hbm>> -> memref<10000x128xf32, #tpu.memory_space<hbm>>
      tpu.wait_indirect_dma semaphore(%arg13 : memref<!tpu.dma_semaphore, #tpu.memory_space<semaphore_mem>>) src(%dma_wait3A_52 : memref<10000x128xf32, #tpu.memory_space<hbm>>) dst(%arg10 : memref<128x128xf32, #tpu.memory_space<vmem>>)
      %dma_start3A_53 = arith.constant 0 : i32
      %dma_start3A_54 = arith.constant 0 : i32
      %dma_start3A_55 = tpu.memref_slice %arg12[%dma_start3A_53, %dma_start3A_54] : memref<10240x128xf32, #tpu.memory_space<vmem_shared>> -> memref<10240x128xf32, #tpu.memory_space<vmem_shared>>
      tpu.enqueue_indirect_dma source(%arg10 : memref<128x128xf32, #tpu.memory_space<vmem>>) target(%dma_start3A_55 : memref<10240x128xf32, #tpu.memory_space<vmem_shared>>) offsets(%arg7 : memref<128xi32, #tpu.memory_space<vmem>>) semaphore(%arg15 : memref<!tpu.dma_semaphore, #tpu.memory_space<semaphore_mem>>) {add = true}
      "tpu.region"() ({
        %run_scoped3A = tpu.sem_alloc : memref<!tpu.dma_semaphore, #tpu.memory_space<semaphore_mem>>
        %dma_start3A_72 = tpu.memref_slice %arg3[%mul3A_48] : memref<320000xi32, #tpu.memory_space<hbm>> -> memref<128xi32, #tpu.memory_space<hbm>>
        %dma_start3A_73 = tpu.memref_slice %arg3[%mul3A_48] : memref<320000xi32, #tpu.memory_space<hbm>> -> memref<128xi32, #tpu.memory_space<hbm>>
        tpu.enqueue_dma source(%dma_start3A_73 : memref<128xi32, #tpu.memory_space<hbm>>) target(%arg8 : memref<128xi32, #tpu.memory_space<vmem>>) target_semaphore(%run_scoped3A : memref<!tpu.dma_semaphore, #tpu.memory_space<semaphore_mem>>)
        %dma_wait3A_74 = tpu.memref_slice %arg3[%mul3A_48] : memref<320000xi32, #tpu.memory_space<hbm>> -> memref<128xi32, #tpu.memory_space<hbm>>
        %dma_wait3A_75 = tpu.memref_slice %arg3[%mul3A_48] : memref<320000xi32, #tpu.memory_space<hbm>> -> memref<128xi32, #tpu.memory_space<hbm>>
        tpu.wait_dma2 semaphore(%run_scoped3A : memref<!tpu.dma_semaphore, #tpu.memory_space<semaphore_mem>>) src(%dma_wait3A_75 : memref<128xi32, #tpu.memory_space<hbm>>) dst(%arg8 : memref<128xi32, #tpu.memory_space<vmem>>)
        tpu.yield
      }) : () -> ()
      "tpu.region"() ({
        %run_scoped3A = tpu.sem_alloc : memref<!tpu.dma_semaphore, #tpu.memory_space<semaphore_mem>>
        %dma_start3A_72 = tpu.memref_slice %arg4[%mul3A_48] : memref<320000xi32, #tpu.memory_space<hbm>> -> memref<128xi32, #tpu.memory_space<hbm>>
        %dma_start3A_73 = tpu.memref_slice %arg4[%mul3A_48] : memref<320000xi32, #tpu.memory_space<hbm>> -> memref<128xi32, #tpu.memory_space<hbm>>
        tpu.enqueue_dma source(%dma_start3A_73 : memref<128xi32, #tpu.memory_space<hbm>>) target(%arg9 : memref<128xi32, #tpu.memory_space<vmem>>) target_semaphore(%run_scoped3A : memref<!tpu.dma_semaphore, #tpu.memory_space<semaphore_mem>>)
        %dma_wait3A_74 = tpu.memref_slice %arg4[%mul3A_48] : memref<320000xi32, #tpu.memory_space<hbm>> -> memref<128xi32, #tpu.memory_space<hbm>>
        %dma_wait3A_75 = tpu.memref_slice %arg4[%mul3A_48] : memref<320000xi32, #tpu.memory_space<hbm>> -> memref<128xi32, #tpu.memory_space<hbm>>
        tpu.wait_dma2 semaphore(%run_scoped3A : memref<!tpu.dma_semaphore, #tpu.memory_space<semaphore_mem>>) src(%dma_wait3A_75 : memref<128xi32, #tpu.memory_space<hbm>>) dst(%arg9 : memref<128xi32, #tpu.memory_space<vmem>>)
        tpu.yield
      }) : () -> ()
      %dma_start3A_56 = arith.constant 0 : i32
      %dma_start3A_57 = arith.constant 0 : i32
      %dma_start3A_58 = tpu.memref_slice %arg2[%dma_start3A_56, %dma_start3A_57] : memref<10000x128xf32, #tpu.memory_space<hbm>> -> memref<10000x128xf32, #tpu.memory_space<hbm>>
      tpu.enqueue_indirect_dma source(%dma_start3A_58 : memref<10000x128xf32, #tpu.memory_space<hbm>>) target(%arg11 : memref<128x128xf32, #tpu.memory_space<vmem>>) offsets(%arg8 : memref<128xi32, #tpu.memory_space<vmem>>) semaphore(%arg14 : memref<!tpu.dma_semaphore, #tpu.memory_space<semaphore_mem>>)
      %dma_wait3A_59 = arith.constant 0 : i32
      %dma_wait3A_60 = arith.constant 0 : i32
      %dma_wait3A_61 = tpu.memref_slice %arg2[%dma_wait3A_59, %dma_wait3A_60] : memref<10000x128xf32, #tpu.memory_space<hbm>> -> memref<10000x128xf32, #tpu.memory_space<hbm>>
      tpu.wait_indirect_dma semaphore(%arg14 : memref<!tpu.dma_semaphore, #tpu.memory_space<semaphore_mem>>) src(%dma_wait3A_61 : memref<10000x128xf32, #tpu.memory_space<hbm>>) dst(%arg11 : memref<128x128xf32, #tpu.memory_space<vmem>>)
      %dma_wait3A_62 = arith.constant 0 : i32
      %dma_wait3A_63 = arith.constant 0 : i32
      %dma_wait3A_64 = tpu.memref_slice %arg12[%dma_wait3A_62, %dma_wait3A_63] : memref<10240x128xf32, #tpu.memory_space<vmem_shared>> -> memref<10240x128xf32, #tpu.memory_space<vmem_shared>>
      tpu.wait_indirect_dma semaphore(%arg15 : memref<!tpu.dma_semaphore, #tpu.memory_space<semaphore_mem>>) src(%arg10 : memref<128x128xf32, #tpu.memory_space<vmem>>) dst(%dma_wait3A_64 : memref<10240x128xf32, #tpu.memory_space<vmem_shared>>)
      %dma_start3A_65 = arith.constant 0 : i32
      %dma_start3A_66 = arith.constant 0 : i32
      %dma_start3A_67 = tpu.memref_slice %arg12[%dma_start3A_65, %dma_start3A_66] : memref<10240x128xf32, #tpu.memory_space<vmem_shared>> -> memref<10240x128xf32, #tpu.memory_space<vmem_shared>>
      tpu.enqueue_indirect_dma source(%arg11 : memref<128x128xf32, #tpu.memory_space<vmem>>) target(%dma_start3A_67 : memref<10240x128xf32, #tpu.memory_space<vmem_shared>>) offsets(%arg9 : memref<128xi32, #tpu.memory_space<vmem>>) semaphore(%arg16 : memref<!tpu.dma_semaphore, #tpu.memory_space<semaphore_mem>>) {add = true}
      %dma_wait3A_68 = arith.constant 0 : i32
      %dma_wait3A_69 = arith.constant 0 : i32
      %dma_wait3A_70 = tpu.memref_slice %arg12[%dma_wait3A_68, %dma_wait3A_69] : memref<10240x128xf32, #tpu.memory_space<vmem_shared>> -> memref<10240x128xf32, #tpu.memory_space<vmem_shared>>
      tpu.wait_indirect_dma semaphore(%arg16 : memref<!tpu.dma_semaphore, #tpu.memory_space<semaphore_mem>>) src(%arg11 : memref<128x128xf32, #tpu.memory_space<vmem>>) dst(%dma_wait3A_70 : memref<10240x128xf32, #tpu.memory_space<vmem_shared>>)
      %scan3A_71 = arith.constant 0 : i32
      scf.yield %scan3A_71 : i32
    }
    %scan3A_20 = arith.constant 39 : i32
    %lt3A = arith.constant 4 : i32
    %lt3A_21 = arith.cmpi slt, %add3A, %lt3A : i32
    %convert_element_type3A = arith.extui %lt3A_21 : i1 to i32
    %cond3A = arith.constant 0 : i32
    %cond3A_22 = arith.cmpi ne, %convert_element_type3A, %cond3A : i32
    scf.if %cond3A_22 {
      %add3A_31 = arith.constant 2496 : i32
      %add3A_32 = arith.addi %add3A, %add3A_31 : i32
      %mul3A_33 = arith.constant 128 : i32
      %mul3A_34 = arith.muli %add3A_32, %mul3A_33 : i32
      "tpu.region"() ({
        %run_scoped3A = tpu.sem_alloc : memref<!tpu.dma_semaphore, #tpu.memory_space<semaphore_mem>>
        %dma_start3A_39 = tpu.memref_slice %arg3[%mul3A_34] : memref<320000xi32, #tpu.memory_space<hbm>> -> memref<128xi32, #tpu.memory_space<hbm>>
        %dma_start3A_40 = tpu.memref_slice %arg3[%mul3A_34] : memref<320000xi32, #tpu.memory_space<hbm>> -> memref<128xi32, #tpu.memory_space<hbm>>
        tpu.enqueue_dma source(%dma_start3A_40 : memref<128xi32, #tpu.memory_space<hbm>>) target(%arg6 : memref<128xi32, #tpu.memory_space<vmem>>) target_semaphore(%run_scoped3A : memref<!tpu.dma_semaphore, #tpu.memory_space<semaphore_mem>>)
        %dma_wait3A_41 = tpu.memref_slice %arg3[%mul3A_34] : memref<320000xi32, #tpu.memory_space<hbm>> -> memref<128xi32, #tpu.memory_space<hbm>>
        %dma_wait3A_42 = tpu.memref_slice %arg3[%mul3A_34] : memref<320000xi32, #tpu.memory_space<hbm>> -> memref<128xi32, #tpu.memory_space<hbm>>
        tpu.wait_dma2 semaphore(%run_scoped3A : memref<!tpu.dma_semaphore, #tpu.memory_space<semaphore_mem>>) src(%dma_wait3A_42 : memref<128xi32, #tpu.memory_space<hbm>>) dst(%arg6 : memref<128xi32, #tpu.memory_space<vmem>>)
        tpu.yield
      }) : () -> ()
      "tpu.region"() ({
        %run_scoped3A = tpu.sem_alloc : memref<!tpu.dma_semaphore, #tpu.memory_space<semaphore_mem>>
        %dma_start3A_39 = tpu.memref_slice %arg4[%mul3A_34] : memref<320000xi32, #tpu.memory_space<hbm>> -> memref<128xi32, #tpu.memory_space<hbm>>
        %dma_start3A_40 = tpu.memref_slice %arg4[%mul3A_34] : memref<320000xi32, #tpu.memory_space<hbm>> -> memref<128xi32, #tpu.memory_space<hbm>>
        tpu.enqueue_dma source(%dma_start3A_40 : memref<128xi32, #tpu.memory_space<hbm>>) target(%arg7 : memref<128xi32, #tpu.memory_space<vmem>>) target_semaphore(%run_scoped3A : memref<!tpu.dma_semaphore, #tpu.memory_space<semaphore_mem>>)
        %dma_wait3A_41 = tpu.memref_slice %arg4[%mul3A_34] : memref<320000xi32, #tpu.memory_space<hbm>> -> memref<128xi32, #tpu.memory_space<hbm>>
        %dma_wait3A_42 = tpu.memref_slice %arg4[%mul3A_34] : memref<320000xi32, #tpu.memory_space<hbm>> -> memref<128xi32, #tpu.memory_space<hbm>>
        tpu.wait_dma2 semaphore(%run_scoped3A : memref<!tpu.dma_semaphore, #tpu.memory_space<semaphore_mem>>) src(%dma_wait3A_42 : memref<128xi32, #tpu.memory_space<hbm>>) dst(%arg7 : memref<128xi32, #tpu.memory_space<vmem>>)
        tpu.yield
      }) : () -> ()
      %dma_start3A = arith.constant 0 : i32
      %dma_start3A_35 = arith.constant 0 : i32
      %dma_start3A_36 = tpu.memref_slice %arg2[%dma_start3A, %dma_start3A_35] : memref<10000x128xf32, #tpu.memory_space<hbm>> -> memref<10000x128xf32, #tpu.memory_space<hbm>>
      tpu.enqueue_indirect_dma source(%dma_start3A_36 : memref<10000x128xf32, #tpu.memory_space<hbm>>) target(%arg10 : memref<128x128xf32, #tpu.memory_space<vmem>>) offsets(%arg6 : memref<128xi32, #tpu.memory_space<vmem>>) semaphore(%arg13 : memref<!tpu.dma_semaphore, #tpu.memory_space<semaphore_mem>>)
      %dma_wait3A = arith.constant 0 : i32
      %dma_wait3A_37 = arith.constant 0 : i32
      %dma_wait3A_38 = tpu.memref_slice %arg2[%dma_wait3A, %dma_wait3A_37] : memref<10000x128xf32, #tpu.memory_space<hbm>> -> memref<10000x128xf32, #tpu.memory_space<hbm>>
      tpu.wait_indirect_dma semaphore(%arg13 : memref<!tpu.dma_semaphore, #tpu.memory_space<semaphore_mem>>) src(%dma_wait3A_38 : memref<10000x128xf32, #tpu.memory_space<hbm>>) dst(%arg10 : memref<128x128xf32, #tpu.memory_space<vmem>>)
      "tpu.region"() ({
        %run_scoped3A = tpu.sem_alloc : memref<!tpu.dma_semaphore, #tpu.memory_space<semaphore_mem>>
        %dma_start3A_39 = arith.constant 0 : i32
        %dma_start3A_40 = arith.constant 0 : i32
        %dma_start3A_41 = tpu.memref_slice %arg12[%dma_start3A_39, %dma_start3A_40] : memref<10240x128xf32, #tpu.memory_space<vmem_shared>> -> memref<10240x128xf32, #tpu.memory_space<vmem_shared>>
        tpu.enqueue_indirect_dma source(%arg10 : memref<128x128xf32, #tpu.memory_space<vmem>>) target(%dma_start3A_41 : memref<10240x128xf32, #tpu.memory_space<vmem_shared>>) offsets(%arg7 : memref<128xi32, #tpu.memory_space<vmem>>) semaphore(%run_scoped3A : memref<!tpu.dma_semaphore, #tpu.memory_space<semaphore_mem>>) {add = true}
        %dma_wait3A_42 = arith.constant 0 : i32
        %dma_wait3A_43 = arith.constant 0 : i32
        %dma_wait3A_44 = tpu.memref_slice %arg12[%dma_wait3A_42, %dma_wait3A_43] : memref<10240x128xf32, #tpu.memory_space<vmem_shared>> -> memref<10240x128xf32, #tpu.memory_space<vmem_shared>>
        tpu.wait_indirect_dma semaphore(%run_scoped3A : memref<!tpu.dma_semaphore, #tpu.memory_space<semaphore_mem>>) src(%arg10 : memref<128x128xf32, #tpu.memory_space<vmem>>) dst(%dma_wait3A_44 : memref<10240x128xf32, #tpu.memory_space<vmem_shared>>)
        tpu.yield
      }) : () -> ()
    } else {
    }
    %barrier3A_23 = arith.constant 0 : index
    tpu.barrier barrier_id(%barrier3A_23)
    %scan3A_24 = arith.constant 0 : i32
    %scan3A_25 = arith.constant 0 : i32
    %scan3A_26 = arith.constant 5 : i32
    %scan3A_27 = arith.addi %scan3A_25, %scan3A_26 : i32
    %scan3A_28 = arith.constant 1 : i32
    %scan3A_29 = scf.for %scan3A_31 = %scan3A_25 to %scan3A_27 step %scan3A_28 iter_args(%scan3A_32 = %scan3A_24) -> (i32)  : i32 {
      %mul3A_33 = arith.constant 640 : i32
      %mul3A_34 = arith.muli %arg1, %mul3A_33 : i32
      %mul3A_35 = arith.constant 128 : i32
      %mul3A_36 = arith.muli %scan3A_31, %mul3A_35 : i32
      %add3A_37 = arith.addi %mul3A_34, %mul3A_36 : i32
      "tpu.region"() ({
        %run_scoped3A = tpu.sem_alloc : memref<!tpu.dma_semaphore, #tpu.memory_space<semaphore_mem>>
        %dma_start3A = arith.constant 0 : i32
        %dma_start3A_39 = tpu.memref_slice %arg12[%add3A_37, %dma_start3A] : memref<10240x128xf32, #tpu.memory_space<vmem_shared>> -> memref<128x128xf32, #tpu.memory_space<vmem_shared>>
        %dma_start3A_40 = arith.constant 0 : i32
        %dma_start3A_41 = tpu.memref_slice %arg12[%add3A_37, %dma_start3A_40] : memref<10240x128xf32, #tpu.memory_space<vmem_shared>> -> memref<128x128xf32, #tpu.memory_space<vmem_shared>>
        tpu.enqueue_dma source(%dma_start3A_41 : memref<128x128xf32, #tpu.memory_space<vmem_shared>>) target(%arg10 : memref<128x128xf32, #tpu.memory_space<vmem>>) target_semaphore(%run_scoped3A : memref<!tpu.dma_semaphore, #tpu.memory_space<semaphore_mem>>)
        %dma_wait3A = arith.constant 0 : i32
        %dma_wait3A_42 = tpu.memref_slice %arg12[%add3A_37, %dma_wait3A] : memref<10240x128xf32, #tpu.memory_space<vmem_shared>> -> memref<128x128xf32, #tpu.memory_space<vmem_shared>>
        %dma_wait3A_43 = arith.constant 0 : i32
        %dma_wait3A_44 = tpu.memref_slice %arg12[%add3A_37, %dma_wait3A_43] : memref<10240x128xf32, #tpu.memory_space<vmem_shared>> -> memref<128x128xf32, #tpu.memory_space<vmem_shared>>
        tpu.wait_dma2 semaphore(%run_scoped3A : memref<!tpu.dma_semaphore, #tpu.memory_space<semaphore_mem>>) src(%dma_wait3A_44 : memref<128x128xf32, #tpu.memory_space<vmem_shared>>) dst(%arg10 : memref<128x128xf32, #tpu.memory_space<vmem>>)
        tpu.yield
      }) : () -> ()
      "tpu.region"() ({
        %run_scoped3A = tpu.sem_alloc : memref<!tpu.dma_semaphore, #tpu.memory_space<semaphore_mem>>
        %dma_start3A = arith.constant 0 : i32
        %dma_start3A_39 = tpu.memref_slice %arg5[%arg0, %add3A_37, %dma_start3A] : memref<2x10240x128xf32, #tpu.memory_space<hbm>> -> memref<1x128x128xf32, #tpu.memory_space<hbm>>
        %dma_start3A_40 = tpu.memref_squeeze %dma_start3A_39 : memref<1x128x128xf32, #tpu.memory_space<hbm>> -> memref<128x128xf32, #tpu.memory_space<hbm>>
        %dma_start3A_41 = arith.constant 0 : i32
        %dma_start3A_42 = tpu.memref_slice %arg5[%arg0, %add3A_37, %dma_start3A_41] : memref<2x10240x128xf32, #tpu.memory_space<hbm>> -> memref<1x128x128xf32, #tpu.memory_space<hbm>>
        %dma_start3A_43 = tpu.memref_squeeze %dma_start3A_42 : memref<1x128x128xf32, #tpu.memory_space<hbm>> -> memref<128x128xf32, #tpu.memory_space<hbm>>
        tpu.enqueue_dma source(%arg10 : memref<128x128xf32, #tpu.memory_space<vmem>>) target(%dma_start3A_43 : memref<128x128xf32, #tpu.memory_space<hbm>>) target_semaphore(%run_scoped3A : memref<!tpu.dma_semaphore, #tpu.memory_space<semaphore_mem>>)
        %dma_wait3A = arith.constant 0 : i32
        %dma_wait3A_44 = tpu.memref_slice %arg5[%arg0, %add3A_37, %dma_wait3A] : memref<2x10240x128xf32, #tpu.memory_space<hbm>> -> memref<1x128x128xf32, #tpu.memory_space<hbm>>
        %dma_wait3A_45 = tpu.memref_squeeze %dma_wait3A_44 : memref<1x128x128xf32, #tpu.memory_space<hbm>> -> memref<128x128xf32, #tpu.memory_space<hbm>>
        %dma_wait3A_46 = arith.constant 0 : i32
        %dma_wait3A_47 = tpu.memref_slice %arg5[%arg0, %add3A_37, %dma_wait3A_46] : memref<2x10240x128xf32, #tpu.memory_space<hbm>> -> memref<1x128x128xf32, #tpu.memory_space<hbm>>
        %dma_wait3A_48 = tpu.memref_squeeze %dma_wait3A_47 : memref<1x128x128xf32, #tpu.memory_space<hbm>> -> memref<128x128xf32, #tpu.memory_space<hbm>>
        tpu.wait_dma2 semaphore(%run_scoped3A : memref<!tpu.dma_semaphore, #tpu.memory_space<semaphore_mem>>) src(%arg10 : memref<128x128xf32, #tpu.memory_space<vmem>>) dst(%dma_wait3A_48 : memref<128x128xf32, #tpu.memory_space<hbm>>)
        tpu.yield
      }) : () -> ()
      %scan3A_38 = arith.constant 0 : i32
      scf.yield %scan3A_38 : i32
    }
    %scan3A_30 = arith.constant 5 : i32
    return
  }
}

#map = affine_map<(d0, d1) -> (0)>
#map1 = affine_map<(d0, d1) -> (0, 0, 0)>
module attributes {stable_mosaic.version = 14 : i64} {
  func.func @_deg_body(%arg0: i32, %arg1: i32, %arg2: memref<320000xi32, #tpu.memory_space<hbm>>, %arg3: memref<2x1x16384xf32, #tpu.memory_space<hbm>>, %arg4: memref<128xi32, #tpu.memory_space<vmem>>, %arg5: memref<128xf32, #tpu.memory_space<vmem>>, %arg6: memref<1024xf32, #tpu.memory_space<vmem>>, %arg7: memref<16384xf32, #tpu.memory_space<vmem_shared>>) attributes {dimension_semantics = [#tpu.dimension_semantics<core_parallel>, #tpu.dimension_semantics<subcore_parallel>], iteration_bounds = array<i64: 2, 16>, scalar_prefetch = 0 : i64, scratch_operands = 4 : i64, tpu.core_type = #tpu.core_type<sc_vector_subcore>, window_params = [{transform_indices = #map}, {transform_indices = #map1}]} {
    %mul3A = arith.constant 16 : i32
    %mul3A_0 = arith.muli %arg0, %mul3A : i32
    %add3A = arith.addi %mul3A_0, %arg1 : i32
    %scan3A = arith.constant 0 : i32
    %scan3A_1 = arith.constant 0 : i32
    %scan3A_2 = arith.constant 64 : i32
    %scan3A_3 = arith.addi %scan3A_1, %scan3A_2 : i32
    %scan3A_4 = arith.constant 1 : i32
    %scan3A_5 = scf.for %scan3A_34 = %scan3A_1 to %scan3A_3 step %scan3A_4 iter_args(%scan3A_35 = %scan3A) -> (i32)  : i32 {
      %broadcast_in_dim3A = arith.constant 0.000000e+00 : f32
      %broadcast_in_dim3A_36 = vector.broadcast %broadcast_in_dim3A : f32 to vector<16xf32>
      %mul3A_37 = arith.constant 16 : i32
      %mul3A_38 = arith.muli %scan3A_34, %mul3A_37 : i32
      %swap3A = arith.index_cast %mul3A_38 : i32 to index
      %swap3A_39 = tpu.vector_load %arg6[%swap3A] {strides = array<i32>} : memref<1024xf32, #tpu.memory_space<vmem>>, vector<16xf32>,
      %swap3A_40 = vector.shape_cast %swap3A_39 : vector<16xf32> to vector<16xf32>
      %swap3A_41 = vector.shape_cast %broadcast_in_dim3A_36 : vector<16xf32> to vector<16xf32>
      tpu.vector_store %arg6[%swap3A], %swap3A_41 {strides = array<i32>} : memref<1024xf32, #tpu.memory_space<vmem>>, vector<16xf32>,
      %scan3A_42 = arith.constant 0 : i32
      scf.yield %scan3A_42 : i32
    }
    %scan3A_6 = arith.constant 64 : i32
    %scan3A_7 = arith.constant 0 : i32
    %scan3A_8 = arith.constant 0 : i32
    %scan3A_9 = arith.constant 8 : i32
    %scan3A_10 = arith.addi %scan3A_8, %scan3A_9 : i32
    %scan3A_11 = arith.constant 1 : i32
    %scan3A_12 = scf.for %scan3A_34 = %scan3A_8 to %scan3A_10 step %scan3A_11 iter_args(%scan3A_35 = %scan3A_7) -> (i32)  : i32 {
      %broadcast_in_dim3A = arith.constant 1.000000e+00 : f32
      %broadcast_in_dim3A_36 = vector.broadcast %broadcast_in_dim3A : f32 to vector<16xf32>
      %mul3A_37 = arith.constant 16 : i32
      %mul3A_38 = arith.muli %scan3A_34, %mul3A_37 : i32
      %swap3A = arith.index_cast %mul3A_38 : i32 to index
      %swap3A_39 = tpu.vector_load %arg5[%swap3A] {strides = array<i32>} : memref<128xf32, #tpu.memory_space<vmem>>, vector<16xf32>,
      %swap3A_40 = vector.shape_cast %swap3A_39 : vector<16xf32> to vector<16xf32>
      %swap3A_41 = vector.shape_cast %broadcast_in_dim3A_36 : vector<16xf32> to vector<16xf32>
      tpu.vector_store %arg5[%swap3A], %swap3A_41 {strides = array<i32>} : memref<128xf32, #tpu.memory_space<vmem>>, vector<16xf32>,
      %scan3A_42 = arith.constant 0 : i32
      scf.yield %scan3A_42 : i32
    }
    %scan3A_13 = arith.constant 8 : i32
    %mul3A_14 = arith.constant 1024 : i32
    %mul3A_15 = arith.muli %arg1, %mul3A_14 : i32
    "tpu.region"() ({
      %run_scoped3A_34 = tpu.sem_alloc : memref<!tpu.dma_semaphore, #tpu.memory_space<semaphore_mem>>
      %dma_start3A = tpu.memref_slice %arg7[%mul3A_15] : memref<16384xf32, #tpu.memory_space<vmem_shared>> -> memref<1024xf32, #tpu.memory_space<vmem_shared>>
      %dma_start3A_35 = tpu.memref_slice %arg7[%mul3A_15] : memref<16384xf32, #tpu.memory_space<vmem_shared>> -> memref<1024xf32, #tpu.memory_space<vmem_shared>>
      tpu.enqueue_dma source(%arg6 : memref<1024xf32, #tpu.memory_space<vmem>>) target(%dma_start3A_35 : memref<1024xf32, #tpu.memory_space<vmem_shared>>) target_semaphore(%run_scoped3A_34 : memref<!tpu.dma_semaphore, #tpu.memory_space<semaphore_mem>>)
      %dma_wait3A = tpu.memref_slice %arg7[%mul3A_15] : memref<16384xf32, #tpu.memory_space<vmem_shared>> -> memref<1024xf32, #tpu.memory_space<vmem_shared>>
      %dma_wait3A_36 = tpu.memref_slice %arg7[%mul3A_15] : memref<16384xf32, #tpu.memory_space<vmem_shared>> -> memref<1024xf32, #tpu.memory_space<vmem_shared>>
      tpu.wait_dma2 semaphore(%run_scoped3A_34 : memref<!tpu.dma_semaphore, #tpu.memory_space<semaphore_mem>>) src(%arg6 : memref<1024xf32, #tpu.memory_space<vmem>>) dst(%dma_wait3A_36 : memref<1024xf32, #tpu.memory_space<vmem_shared>>)
      tpu.yield
    }) : () -> ()
    %barrier3A = arith.constant 0 : index
    tpu.barrier barrier_id(%barrier3A)
    %lt3A = arith.constant 4 : i32
    %lt3A_16 = arith.cmpi slt, %add3A, %lt3A : i32
    %jit3A = arith.constant 79 : i32
    %jit3A_17 = arith.constant 78 : i32
    %select_n3A = arith.select %lt3A_16, %jit3A, %jit3A_17 : i32
    %while3A = arith.constant 0 : i32
    %while3A_18 = arith.constant 0 : i32
    %while3A_19 = arith.subi %select_n3A, %while3A : i32
    %while3A_20 = arith.addi %while3A, %while3A_19 : i32
    %while3A_21 = arith.constant 1 : i32
    %while3A_22 = arith.divsi %while3A_19, %while3A_21 : i32
    %while3A_23 = arith.muli %while3A_22, %while3A_21 : i32
    %while3A_24 = arith.addi %while3A, %while3A_23 : i32
    %while3A_25 = arith.constant 1 : i32
    %while3A_26 = scf.for %while3A_34 = %while3A to %while3A_24 step %while3A_25 iter_args(%while3A_35 = %while3A_18) -> (i32)  : i32 {
      %mul3A_36 = arith.constant 32 : i32
      %mul3A_37 = arith.muli %while3A_34, %mul3A_36 : i32
      %add3A_38 = arith.addi %add3A, %mul3A_37 : i32
      %mul3A_39 = arith.constant 128 : i32
      %mul3A_40 = arith.muli %add3A_38, %mul3A_39 : i32
      "tpu.region"() ({
        %run_scoped3A_42 = tpu.sem_alloc : memref<!tpu.dma_semaphore, #tpu.memory_space<semaphore_mem>>
        %dma_start3A = tpu.memref_slice %arg2[%mul3A_40] : memref<320000xi32, #tpu.memory_space<hbm>> -> memref<128xi32, #tpu.memory_space<hbm>>
        %dma_start3A_43 = tpu.memref_slice %arg2[%mul3A_40] : memref<320000xi32, #tpu.memory_space<hbm>> -> memref<128xi32, #tpu.memory_space<hbm>>
        tpu.enqueue_dma source(%dma_start3A_43 : memref<128xi32, #tpu.memory_space<hbm>>) target(%arg4 : memref<128xi32, #tpu.memory_space<vmem>>) target_semaphore(%run_scoped3A_42 : memref<!tpu.dma_semaphore, #tpu.memory_space<semaphore_mem>>)
        %dma_wait3A = tpu.memref_slice %arg2[%mul3A_40] : memref<320000xi32, #tpu.memory_space<hbm>> -> memref<128xi32, #tpu.memory_space<hbm>>
        %dma_wait3A_44 = tpu.memref_slice %arg2[%mul3A_40] : memref<320000xi32, #tpu.memory_space<hbm>> -> memref<128xi32, #tpu.memory_space<hbm>>
        tpu.wait_dma2 semaphore(%run_scoped3A_42 : memref<!tpu.dma_semaphore, #tpu.memory_space<semaphore_mem>>) src(%dma_wait3A_44 : memref<128xi32, #tpu.memory_space<hbm>>) dst(%arg4 : memref<128xi32, #tpu.memory_space<vmem>>)
        tpu.yield
      }) : () -> ()
      "tpu.region"() ({
        %run_scoped3A_42 = tpu.sem_alloc : memref<!tpu.dma_semaphore, #tpu.memory_space<semaphore_mem>>
        %dma_start3A = arith.constant 0 : i32
        %dma_start3A_43 = tpu.memref_slice %arg7[%dma_start3A] : memref<16384xf32, #tpu.memory_space<vmem_shared>> -> memref<16384xf32, #tpu.memory_space<vmem_shared>>
        tpu.enqueue_indirect_dma source(%arg5 : memref<128xf32, #tpu.memory_space<vmem>>) target(%dma_start3A_43 : memref<16384xf32, #tpu.memory_space<vmem_shared>>) offsets(%arg4 : memref<128xi32, #tpu.memory_space<vmem>>) semaphore(%run_scoped3A_42 : memref<!tpu.dma_semaphore, #tpu.memory_space<semaphore_mem>>) {add = true}
        %dma_wait3A = arith.constant 0 : i32
        %dma_wait3A_44 = tpu.memref_slice %arg7[%dma_wait3A] : memref<16384xf32, #tpu.memory_space<vmem_shared>> -> memref<16384xf32, #tpu.memory_space<vmem_shared>>
        tpu.wait_indirect_dma semaphore(%run_scoped3A_42 : memref<!tpu.dma_semaphore, #tpu.memory_space<semaphore_mem>>) src(%arg5 : memref<128xf32, #tpu.memory_space<vmem>>) dst(%dma_wait3A_44 : memref<16384xf32, #tpu.memory_space<vmem_shared>>)
        tpu.yield
      }) : () -> ()
      %while3A_41 = arith.constant 0 : i32
      scf.yield %while3A_41 : i32
    }
    %while3A_27 = arith.constant 1 : i32
    %while3A_28 = scf.for %while3A_34 = %while3A_24 to %while3A_20 step %while3A_27 iter_args(%while3A_35 = %while3A_26) -> (i32)  : i32 {
      %mul3A_36 = arith.constant 32 : i32
      %mul3A_37 = arith.muli %while3A_34, %mul3A_36 : i32
      %add3A_38 = arith.addi %add3A, %mul3A_37 : i32
      %mul3A_39 = arith.constant 128 : i32
      %mul3A_40 = arith.muli %add3A_38, %mul3A_39 : i32
      "tpu.region"() ({
        %run_scoped3A_42 = tpu.sem_alloc : memref<!tpu.dma_semaphore, #tpu.memory_space<semaphore_mem>>
        %dma_start3A = tpu.memref_slice %arg2[%mul3A_40] : memref<320000xi32, #tpu.memory_space<hbm>> -> memref<128xi32, #tpu.memory_space<hbm>>
        %dma_start3A_43 = tpu.memref_slice %arg2[%mul3A_40] : memref<320000xi32, #tpu.memory_space<hbm>> -> memref<128xi32, #tpu.memory_space<hbm>>
        tpu.enqueue_dma source(%dma_start3A_43 : memref<128xi32, #tpu.memory_space<hbm>>) target(%arg4 : memref<128xi32, #tpu.memory_space<vmem>>) target_semaphore(%run_scoped3A_42 : memref<!tpu.dma_semaphore, #tpu.memory_space<semaphore_mem>>)
        %dma_wait3A = tpu.memref_slice %arg2[%mul3A_40] : memref<320000xi32, #tpu.memory_space<hbm>> -> memref<128xi32, #tpu.memory_space<hbm>>
        %dma_wait3A_44 = tpu.memref_slice %arg2[%mul3A_40] : memref<320000xi32, #tpu.memory_space<hbm>> -> memref<128xi32, #tpu.memory_space<hbm>>
        tpu.wait_dma2 semaphore(%run_scoped3A_42 : memref<!tpu.dma_semaphore, #tpu.memory_space<semaphore_mem>>) src(%dma_wait3A_44 : memref<128xi32, #tpu.memory_space<hbm>>) dst(%arg4 : memref<128xi32, #tpu.memory_space<vmem>>)
        tpu.yield
      }) : () -> ()
      "tpu.region"() ({
        %run_scoped3A_42 = tpu.sem_alloc : memref<!tpu.dma_semaphore, #tpu.memory_space<semaphore_mem>>
        %dma_start3A = arith.constant 0 : i32
        %dma_start3A_43 = tpu.memref_slice %arg7[%dma_start3A] : memref<16384xf32, #tpu.memory_space<vmem_shared>> -> memref<16384xf32, #tpu.memory_space<vmem_shared>>
        tpu.enqueue_indirect_dma source(%arg5 : memref<128xf32, #tpu.memory_space<vmem>>) target(%dma_start3A_43 : memref<16384xf32, #tpu.memory_space<vmem_shared>>) offsets(%arg4 : memref<128xi32, #tpu.memory_space<vmem>>) semaphore(%run_scoped3A_42 : memref<!tpu.dma_semaphore, #tpu.memory_space<semaphore_mem>>) {add = true}
        %dma_wait3A = arith.constant 0 : i32
        %dma_wait3A_44 = tpu.memref_slice %arg7[%dma_wait3A] : memref<16384xf32, #tpu.memory_space<vmem_shared>> -> memref<16384xf32, #tpu.memory_space<vmem_shared>>
        tpu.wait_indirect_dma semaphore(%run_scoped3A_42 : memref<!tpu.dma_semaphore, #tpu.memory_space<semaphore_mem>>) src(%arg5 : memref<128xf32, #tpu.memory_space<vmem>>) dst(%dma_wait3A_44 : memref<16384xf32, #tpu.memory_space<vmem_shared>>)
        tpu.yield
      }) : () -> ()
      %while3A_41 = arith.constant 0 : i32
      scf.yield %while3A_41 : i32
    }
    %barrier3A_29 = arith.constant 0 : index
    tpu.barrier barrier_id(%barrier3A_29)
    %mul3A_30 = arith.constant 1024 : i32
    %mul3A_31 = arith.muli %arg1, %mul3A_30 : i32
    "tpu.region"() ({
      %run_scoped3A_34 = tpu.sem_alloc : memref<!tpu.dma_semaphore, #tpu.memory_space<semaphore_mem>>
      %dma_start3A = tpu.memref_slice %arg7[%mul3A_31] : memref<16384xf32, #tpu.memory_space<vmem_shared>> -> memref<1024xf32, #tpu.memory_space<vmem_shared>>
      %dma_start3A_35 = tpu.memref_slice %arg7[%mul3A_31] : memref<16384xf32, #tpu.memory_space<vmem_shared>> -> memref<1024xf32, #tpu.memory_space<vmem_shared>>
      tpu.enqueue_dma source(%dma_start3A_35 : memref<1024xf32, #tpu.memory_space<vmem_shared>>) target(%arg6 : memref<1024xf32, #tpu.memory_space<vmem>>) target_semaphore(%run_scoped3A_34 : memref<!tpu.dma_semaphore, #tpu.memory_space<semaphore_mem>>)
      %dma_wait3A = tpu.memref_slice %arg7[%mul3A_31] : memref<16384xf32, #tpu.memory_space<vmem_shared>> -> memref<1024xf32, #tpu.memory_space<vmem_shared>>
      %dma_wait3A_36 = tpu.memref_slice %arg7[%mul3A_31] : memref<16384xf32, #tpu.memory_space<vmem_shared>> -> memref<1024xf32, #tpu.memory_space<vmem_shared>>
      tpu.wait_dma2 semaphore(%run_scoped3A_34 : memref<!tpu.dma_semaphore, #tpu.memory_space<semaphore_mem>>) src(%dma_wait3A_36 : memref<1024xf32, #tpu.memory_space<vmem_shared>>) dst(%arg6 : memref<1024xf32, #tpu.memory_space<vmem>>)
      tpu.yield
    }) : () -> ()
    %mul3A_32 = arith.constant 1024 : i32
    %mul3A_33 = arith.muli %arg1, %mul3A_32 : i32
    %run_scoped3A = arith.constant 0 : i32
    "tpu.region"() ({
      %run_scoped3A_34 = tpu.sem_alloc : memref<!tpu.dma_semaphore, #tpu.memory_space<semaphore_mem>>
      %dma_start3A = tpu.memref_slice %arg3[%arg0, %run_scoped3A, %mul3A_33] : memref<2x1x16384xf32, #tpu.memory_space<hbm>> -> memref<1x1x1024xf32, #tpu.memory_space<hbm>>
      %dma_start3A_35 = tpu.memref_squeeze %dma_start3A : memref<1x1x1024xf32, #tpu.memory_space<hbm>> -> memref<1024xf32, #tpu.memory_space<hbm>>
      %dma_start3A_36 = tpu.memref_slice %arg3[%arg0, %run_scoped3A, %mul3A_33] : memref<2x1x16384xf32, #tpu.memory_space<hbm>> -> memref<1x1x1024xf32, #tpu.memory_space<hbm>>
      %dma_start3A_37 = tpu.memref_squeeze %dma_start3A_36 : memref<1x1x1024xf32, #tpu.memory_space<hbm>> -> memref<1024xf32, #tpu.memory_space<hbm>>
      tpu.enqueue_dma source(%arg6 : memref<1024xf32, #tpu.memory_space<vmem>>) target(%dma_start3A_37 : memref<1024xf32, #tpu.memory_space<hbm>>) target_semaphore(%run_scoped3A_34 : memref<!tpu.dma_semaphore, #tpu.memory_space<semaphore_mem>>)
      %dma_wait3A = tpu.memref_slice %arg3[%arg0, %run_scoped3A, %mul3A_33] : memref<2x1x16384xf32, #tpu.memory_space<hbm>> -> memref<1x1x1024xf32, #tpu.memory_space<hbm>>
      %dma_wait3A_38 = tpu.memref_squeeze %dma_wait3A : memref<1x1x1024xf32, #tpu.memory_space<hbm>> -> memref<1024xf32, #tpu.memory_space<hbm>>
      %dma_wait3A_39 = tpu.memref_slice %arg3[%arg0, %run_scoped3A, %mul3A_33] : memref<2x1x16384xf32, #tpu.memory_space<hbm>> -> memref<1x1x1024xf32, #tpu.memory_space<hbm>>
      %dma_wait3A_40 = tpu.memref_squeeze %dma_wait3A_39 : memref<1x1x1024xf32, #tpu.memory_space<hbm>> -> memref<1024xf32, #tpu.memory_space<hbm>>
      tpu.wait_dma2 semaphore(%run_scoped3A_34 : memref<!tpu.dma_semaphore, #tpu.memory_space<semaphore_mem>>) src(%arg6 : memref<1024xf32, #tpu.memory_space<vmem>>) dst(%dma_wait3A_40 : memref<1024xf32, #tpu.memory_space<hbm>>)
      tpu.yield
    }) : () -> ()
    return
  }
}

#map = affine_map<(d0, d1) -> (0, 0)>
#map1 = affine_map<(d0, d1) -> (0)>
#map2 = affine_map<(d0, d1) -> (0, 0, 0)>
module attributes {stable_mosaic.version = 14 : i64} {
  func.func @_scatter_body(%arg0: i32, %arg1: i32, %arg2: memref<10000x128xf32, #tpu.memory_space<hbm>>, %arg3: memref<320000xi32, #tpu.memory_space<hbm>>, %arg4: memref<320000xi32, #tpu.memory_space<hbm>>, %arg5: memref<2x10240x128xf32, #tpu.memory_space<hbm>>, %arg6: memref<128xi32, #tpu.memory_space<vmem>>, %arg7: memref<128xi32, #tpu.memory_space<vmem>>, %arg8: memref<128xi32, #tpu.memory_space<vmem>>, %arg9: memref<128xi32, #tpu.memory_space<vmem>>, %arg10: memref<128x128xf32, #tpu.memory_space<vmem>>, %arg11: memref<128x128xf32, #tpu.memory_space<vmem>>, %arg12: memref<10240x128xf32, #tpu.memory_space<vmem_shared>>, %arg13: memref<!tpu.dma_semaphore, #tpu.memory_space<semaphore_mem>>, %arg14: memref<!tpu.dma_semaphore, #tpu.memory_space<semaphore_mem>>, %arg15: memref<!tpu.dma_semaphore, #tpu.memory_space<semaphore_mem>>, %arg16: memref<!tpu.dma_semaphore, #tpu.memory_space<semaphore_mem>>) attributes {dimension_semantics = [#tpu.dimension_semantics<core_parallel>, #tpu.dimension_semantics<subcore_parallel>], iteration_bounds = array<i64: 2, 16>, scalar_prefetch = 0 : i64, scratch_operands = 11 : i64, tpu.core_type = #tpu.core_type<sc_vector_subcore>, window_params = [{transform_indices = #map}, {transform_indices = #map1}, {transform_indices = #map1}, {transform_indices = #map2}]} {
    %mul3A = arith.constant 16 : i32
    %mul3A_0 = arith.muli %arg0, %mul3A : i32
    %add3A = arith.addi %mul3A_0, %arg1 : i32
    %scan3A = arith.constant 0 : i32
    %scan3A_1 = arith.constant 0 : i32
    %scan3A_2 = arith.constant 128 : i32
    %scan3A_3 = arith.addi %scan3A_1, %scan3A_2 : i32
    %scan3A_4 = arith.constant 1 : i32
    %scan3A_5 = scf.for %scan3A_31 = %scan3A_1 to %scan3A_3 step %scan3A_4 iter_args(%scan3A_32 = %scan3A) -> (i32)  : i32 {
      %scan3A_33 = arith.constant 0 : i32
      %scan3A_34 = arith.constant 0 : i32
      %scan3A_35 = arith.constant 8 : i32
      %scan3A_36 = arith.addi %scan3A_34, %scan3A_35 : i32
      %scan3A_37 = arith.constant 1 : i32
      %scan3A_38 = scf.for %scan3A_41 = %scan3A_34 to %scan3A_36 step %scan3A_37 iter_args(%scan3A_42 = %scan3A_33) -> (i32)  : i32 {
        %broadcast_in_dim3A = arith.constant 0.000000e+00 : f32
        %broadcast_in_dim3A_43 = vector.broadcast %broadcast_in_dim3A : f32 to vector<16xf32>
        %mul3A_44 = arith.constant 16 : i32
        %mul3A_45 = arith.muli %scan3A_41, %mul3A_44 : i32
        %swap3A = arith.index_cast %scan3A_31 : i32 to index
        %swap3A_46 = arith.index_cast %mul3A_45 : i32 to index
        %swap3A_47 = tpu.vector_load %arg10[%swap3A, %swap3A_46] {strides = array<i32>} : memref<128x128xf32, #tpu.memory_space<vmem>>, vector<1x16xf32>,
        %swap3A_48 = vector.shape_cast %swap3A_47 : vector<1x16xf32> to vector<16xf32>
        %swap3A_49 = vector.shape_cast %broadcast_in_dim3A_43 : vector<16xf32> to vector<1x16xf32>
        tpu.vector_store %arg10[%swap3A, %swap3A_46], %swap3A_49 {strides = array<i32>} : memref<128x128xf32, #tpu.memory_space<vmem>>, vector<1x16xf32>,
        %scan3A_50 = arith.constant 0 : i32
        scf.yield %scan3A_50 : i32
      }
      %scan3A_39 = arith.constant 8 : i32
      %scan3A_40 = arith.constant 0 : i32
      scf.yield %scan3A_40 : i32
    }
    %scan3A_6 = arith.constant 128 : i32
    %scan3A_7 = arith.constant 0 : i32
    %scan3A_8 = arith.constant 0 : i32
    %scan3A_9 = arith.constant 5 : i32
    %scan3A_10 = arith.addi %scan3A_8, %scan3A_9 : i32
    %scan3A_11 = arith.constant 1 : i32
    %scan3A_12 = scf.for %scan3A_31 = %scan3A_8 to %scan3A_10 step %scan3A_11 iter_args(%scan3A_32 = %scan3A_7) -> (i32)  : i32 {
      %mul3A_33 = arith.constant 640 : i32
      %mul3A_34 = arith.muli %arg1, %mul3A_33 : i32
      %mul3A_35 = arith.constant 128 : i32
      %mul3A_36 = arith.muli %scan3A_31, %mul3A_35 : i32
      %add3A_37 = arith.addi %mul3A_34, %mul3A_36 : i32
      "tpu.region"() ({
        %run_scoped3A = tpu.sem_alloc : memref<!tpu.dma_semaphore, #tpu.memory_space<semaphore_mem>>
        %dma_start3A = arith.constant 0 : i32
        %dma_start3A_39 = tpu.memref_slice %arg12[%add3A_37, %dma_start3A] : memref<10240x128xf32, #tpu.memory_space<vmem_shared>> -> memref<128x128xf32, #tpu.memory_space<vmem_shared>>
        %dma_start3A_40 = arith.constant 0 : i32
        %dma_start3A_41 = tpu.memref_slice %arg12[%add3A_37, %dma_start3A_40] : memref<10240x128xf32, #tpu.memory_space<vmem_shared>> -> memref<128x128xf32, #tpu.memory_space<vmem_shared>>
        tpu.enqueue_dma source(%arg10 : memref<128x128xf32, #tpu.memory_space<vmem>>) target(%dma_start3A_41 : memref<128x128xf32, #tpu.memory_space<vmem_shared>>) target_semaphore(%run_scoped3A : memref<!tpu.dma_semaphore, #tpu.memory_space<semaphore_mem>>)
        %dma_wait3A = arith.constant 0 : i32
        %dma_wait3A_42 = tpu.memref_slice %arg12[%add3A_37, %dma_wait3A] : memref<10240x128xf32, #tpu.memory_space<vmem_shared>> -> memref<128x128xf32, #tpu.memory_space<vmem_shared>>
        %dma_wait3A_43 = arith.constant 0 : i32
        %dma_wait3A_44 = tpu.memref_slice %arg12[%add3A_37, %dma_wait3A_43] : memref<10240x128xf32, #tpu.memory_space<vmem_shared>> -> memref<128x128xf32, #tpu.memory_space<vmem_shared>>
        tpu.wait_dma2 semaphore(%run_scoped3A : memref<!tpu.dma_semaphore, #tpu.memory_space<semaphore_mem>>) src(%arg10 : memref<128x128xf32, #tpu.memory_space<vmem>>) dst(%dma_wait3A_44 : memref<128x128xf32, #tpu.memory_space<vmem_shared>>)
        tpu.yield
      }) : () -> ()
      %scan3A_38 = arith.constant 0 : i32
      scf.yield %scan3A_38 : i32
    }
    %scan3A_13 = arith.constant 5 : i32
    %barrier3A = arith.constant 0 : index
    tpu.barrier barrier_id(%barrier3A)
    %scan3A_14 = arith.constant 0 : i32
    %scan3A_15 = arith.constant 0 : i32
    %scan3A_16 = arith.constant 39 : i32
    %scan3A_17 = arith.addi %scan3A_15, %scan3A_16 : i32
    %scan3A_18 = arith.constant 1 : i32
    %scan3A_19 = scf.for %scan3A_31 = %scan3A_15 to %scan3A_17 step %scan3A_18 iter_args(%scan3A_32 = %scan3A_14) -> (i32)  : i32 {
      %mul3A_33 = arith.constant 2 : i32
      %mul3A_34 = arith.muli %mul3A_33, %scan3A_31 : i32
      %mul3A_35 = arith.constant 32 : i32
      %mul3A_36 = arith.muli %mul3A_34, %mul3A_35 : i32
      %add3A_37 = arith.addi %add3A, %mul3A_36 : i32
      %mul3A_38 = arith.constant 128 : i32
      %mul3A_39 = arith.muli %add3A_37, %mul3A_38 : i32
      %mul3A_40 = arith.constant 2 : i32
      %mul3A_41 = arith.muli %mul3A_40, %scan3A_31 : i32
      %add3A_42 = arith.constant 1 : i32
      %add3A_43 = arith.addi %mul3A_41, %add3A_42 : i32
      %mul3A_44 = arith.constant 32 : i32
      %mul3A_45 = arith.muli %add3A_43, %mul3A_44 : i32
      %add3A_46 = arith.addi %add3A, %mul3A_45 : i32
      %mul3A_47 = arith.constant 128 : i32
      %mul3A_48 = arith.muli %add3A_46, %mul3A_47 : i32
      "tpu.region"() ({
        %run_scoped3A = tpu.sem_alloc : memref<!tpu.dma_semaphore, #tpu.memory_space<semaphore_mem>>
        %dma_start3A_72 = tpu.memref_slice %arg3[%mul3A_39] : memref<320000xi32, #tpu.memory_space<hbm>> -> memref<128xi32, #tpu.memory_space<hbm>>
        %dma_start3A_73 = tpu.memref_slice %arg3[%mul3A_39] : memref<320000xi32, #tpu.memory_space<hbm>> -> memref<128xi32, #tpu.memory_space<hbm>>
        tpu.enqueue_dma source(%dma_start3A_73 : memref<128xi32, #tpu.memory_space<hbm>>) target(%arg6 : memref<128xi32, #tpu.memory_space<vmem>>) target_semaphore(%run_scoped3A : memref<!tpu.dma_semaphore, #tpu.memory_space<semaphore_mem>>)
        %dma_wait3A_74 = tpu.memref_slice %arg3[%mul3A_39] : memref<320000xi32, #tpu.memory_space<hbm>> -> memref<128xi32, #tpu.memory_space<hbm>>
        %dma_wait3A_75 = tpu.memref_slice %arg3[%mul3A_39] : memref<320000xi32, #tpu.memory_space<hbm>> -> memref<128xi32, #tpu.memory_space<hbm>>
        tpu.wait_dma2 semaphore(%run_scoped3A : memref<!tpu.dma_semaphore, #tpu.memory_space<semaphore_mem>>) src(%dma_wait3A_75 : memref<128xi32, #tpu.memory_space<hbm>>) dst(%arg6 : memref<128xi32, #tpu.memory_space<vmem>>)
        tpu.yield
      }) : () -> ()
      "tpu.region"() ({
        %run_scoped3A = tpu.sem_alloc : memref<!tpu.dma_semaphore, #tpu.memory_space<semaphore_mem>>
        %dma_start3A_72 = tpu.memref_slice %arg4[%mul3A_39] : memref<320000xi32, #tpu.memory_space<hbm>> -> memref<128xi32, #tpu.memory_space<hbm>>
        %dma_start3A_73 = tpu.memref_slice %arg4[%mul3A_39] : memref<320000xi32, #tpu.memory_space<hbm>> -> memref<128xi32, #tpu.memory_space<hbm>>
        tpu.enqueue_dma source(%dma_start3A_73 : memref<128xi32, #tpu.memory_space<hbm>>) target(%arg7 : memref<128xi32, #tpu.memory_space<vmem>>) target_semaphore(%run_scoped3A : memref<!tpu.dma_semaphore, #tpu.memory_space<semaphore_mem>>)
        %dma_wait3A_74 = tpu.memref_slice %arg4[%mul3A_39] : memref<320000xi32, #tpu.memory_space<hbm>> -> memref<128xi32, #tpu.memory_space<hbm>>
        %dma_wait3A_75 = tpu.memref_slice %arg4[%mul3A_39] : memref<320000xi32, #tpu.memory_space<hbm>> -> memref<128xi32, #tpu.memory_space<hbm>>
        tpu.wait_dma2 semaphore(%run_scoped3A : memref<!tpu.dma_semaphore, #tpu.memory_space<semaphore_mem>>) src(%dma_wait3A_75 : memref<128xi32, #tpu.memory_space<hbm>>) dst(%arg7 : memref<128xi32, #tpu.memory_space<vmem>>)
        tpu.yield
      }) : () -> ()
      %dma_start3A = arith.constant 0 : i32
      %dma_start3A_49 = arith.constant 0 : i32
      %dma_start3A_50 = tpu.memref_slice %arg2[%dma_start3A, %dma_start3A_49] : memref<10000x128xf32, #tpu.memory_space<hbm>> -> memref<10000x128xf32, #tpu.memory_space<hbm>>
      tpu.enqueue_indirect_dma source(%dma_start3A_50 : memref<10000x128xf32, #tpu.memory_space<hbm>>) target(%arg10 : memref<128x128xf32, #tpu.memory_space<vmem>>) offsets(%arg6 : memref<128xi32, #tpu.memory_space<vmem>>) semaphore(%arg13 : memref<!tpu.dma_semaphore, #tpu.memory_space<semaphore_mem>>)
      %dma_wait3A = arith.constant 0 : i32
      %dma_wait3A_51 = arith.constant 0 : i32
      %dma_wait3A_52 = tpu.memref_slice %arg2[%dma_wait3A, %dma_wait3A_51] : memref<10000x128xf32, #tpu.memory_space<hbm>> -> memref<10000x128xf32, #tpu.memory_space<hbm>>
      tpu.wait_indirect_dma semaphore(%arg13 : memref<!tpu.dma_semaphore, #tpu.memory_space<semaphore_mem>>) src(%dma_wait3A_52 : memref<10000x128xf32, #tpu.memory_space<hbm>>) dst(%arg10 : memref<128x128xf32, #tpu.memory_space<vmem>>)
      %dma_start3A_53 = arith.constant 0 : i32
      %dma_start3A_54 = arith.constant 0 : i32
      %dma_start3A_55 = tpu.memref_slice %arg12[%dma_start3A_53, %dma_start3A_54] : memref<10240x128xf32, #tpu.memory_space<vmem_shared>> -> memref<10240x128xf32, #tpu.memory_space<vmem_shared>>
      tpu.enqueue_indirect_dma source(%arg10 : memref<128x128xf32, #tpu.memory_space<vmem>>) target(%dma_start3A_55 : memref<10240x128xf32, #tpu.memory_space<vmem_shared>>) offsets(%arg7 : memref<128xi32, #tpu.memory_space<vmem>>) semaphore(%arg15 : memref<!tpu.dma_semaphore, #tpu.memory_space<semaphore_mem>>) {add = true}
      "tpu.region"() ({
        %run_scoped3A = tpu.sem_alloc : memref<!tpu.dma_semaphore, #tpu.memory_space<semaphore_mem>>
        %dma_start3A_72 = tpu.memref_slice %arg3[%mul3A_48] : memref<320000xi32, #tpu.memory_space<hbm>> -> memref<128xi32, #tpu.memory_space<hbm>>
        %dma_start3A_73 = tpu.memref_slice %arg3[%mul3A_48] : memref<320000xi32, #tpu.memory_space<hbm>> -> memref<128xi32, #tpu.memory_space<hbm>>
        tpu.enqueue_dma source(%dma_start3A_73 : memref<128xi32, #tpu.memory_space<hbm>>) target(%arg8 : memref<128xi32, #tpu.memory_space<vmem>>) target_semaphore(%run_scoped3A : memref<!tpu.dma_semaphore, #tpu.memory_space<semaphore_mem>>)
        %dma_wait3A_74 = tpu.memref_slice %arg3[%mul3A_48] : memref<320000xi32, #tpu.memory_space<hbm>> -> memref<128xi32, #tpu.memory_space<hbm>>
        %dma_wait3A_75 = tpu.memref_slice %arg3[%mul3A_48] : memref<320000xi32, #tpu.memory_space<hbm>> -> memref<128xi32, #tpu.memory_space<hbm>>
        tpu.wait_dma2 semaphore(%run_scoped3A : memref<!tpu.dma_semaphore, #tpu.memory_space<semaphore_mem>>) src(%dma_wait3A_75 : memref<128xi32, #tpu.memory_space<hbm>>) dst(%arg8 : memref<128xi32, #tpu.memory_space<vmem>>)
        tpu.yield
      }) : () -> ()
      "tpu.region"() ({
        %run_scoped3A = tpu.sem_alloc : memref<!tpu.dma_semaphore, #tpu.memory_space<semaphore_mem>>
        %dma_start3A_72 = tpu.memref_slice %arg4[%mul3A_48] : memref<320000xi32, #tpu.memory_space<hbm>> -> memref<128xi32, #tpu.memory_space<hbm>>
        %dma_start3A_73 = tpu.memref_slice %arg4[%mul3A_48] : memref<320000xi32, #tpu.memory_space<hbm>> -> memref<128xi32, #tpu.memory_space<hbm>>
        tpu.enqueue_dma source(%dma_start3A_73 : memref<128xi32, #tpu.memory_space<hbm>>) target(%arg9 : memref<128xi32, #tpu.memory_space<vmem>>) target_semaphore(%run_scoped3A : memref<!tpu.dma_semaphore, #tpu.memory_space<semaphore_mem>>)
        %dma_wait3A_74 = tpu.memref_slice %arg4[%mul3A_48] : memref<320000xi32, #tpu.memory_space<hbm>> -> memref<128xi32, #tpu.memory_space<hbm>>
        %dma_wait3A_75 = tpu.memref_slice %arg4[%mul3A_48] : memref<320000xi32, #tpu.memory_space<hbm>> -> memref<128xi32, #tpu.memory_space<hbm>>
        tpu.wait_dma2 semaphore(%run_scoped3A : memref<!tpu.dma_semaphore, #tpu.memory_space<semaphore_mem>>) src(%dma_wait3A_75 : memref<128xi32, #tpu.memory_space<hbm>>) dst(%arg9 : memref<128xi32, #tpu.memory_space<vmem>>)
        tpu.yield
      }) : () -> ()
      %dma_start3A_56 = arith.constant 0 : i32
      %dma_start3A_57 = arith.constant 0 : i32
      %dma_start3A_58 = tpu.memref_slice %arg2[%dma_start3A_56, %dma_start3A_57] : memref<10000x128xf32, #tpu.memory_space<hbm>> -> memref<10000x128xf32, #tpu.memory_space<hbm>>
      tpu.enqueue_indirect_dma source(%dma_start3A_58 : memref<10000x128xf32, #tpu.memory_space<hbm>>) target(%arg11 : memref<128x128xf32, #tpu.memory_space<vmem>>) offsets(%arg8 : memref<128xi32, #tpu.memory_space<vmem>>) semaphore(%arg14 : memref<!tpu.dma_semaphore, #tpu.memory_space<semaphore_mem>>)
      %dma_wait3A_59 = arith.constant 0 : i32
      %dma_wait3A_60 = arith.constant 0 : i32
      %dma_wait3A_61 = tpu.memref_slice %arg2[%dma_wait3A_59, %dma_wait3A_60] : memref<10000x128xf32, #tpu.memory_space<hbm>> -> memref<10000x128xf32, #tpu.memory_space<hbm>>
      tpu.wait_indirect_dma semaphore(%arg14 : memref<!tpu.dma_semaphore, #tpu.memory_space<semaphore_mem>>) src(%dma_wait3A_61 : memref<10000x128xf32, #tpu.memory_space<hbm>>) dst(%arg11 : memref<128x128xf32, #tpu.memory_space<vmem>>)
      %dma_wait3A_62 = arith.constant 0 : i32
      %dma_wait3A_63 = arith.constant 0 : i32
      %dma_wait3A_64 = tpu.memref_slice %arg12[%dma_wait3A_62, %dma_wait3A_63] : memref<10240x128xf32, #tpu.memory_space<vmem_shared>> -> memref<10240x128xf32, #tpu.memory_space<vmem_shared>>
      tpu.wait_indirect_dma semaphore(%arg15 : memref<!tpu.dma_semaphore, #tpu.memory_space<semaphore_mem>>) src(%arg10 : memref<128x128xf32, #tpu.memory_space<vmem>>) dst(%dma_wait3A_64 : memref<10240x128xf32, #tpu.memory_space<vmem_shared>>)
      %dma_start3A_65 = arith.constant 0 : i32
      %dma_start3A_66 = arith.constant 0 : i32
      %dma_start3A_67 = tpu.memref_slice %arg12[%dma_start3A_65, %dma_start3A_66] : memref<10240x128xf32, #tpu.memory_space<vmem_shared>> -> memref<10240x128xf32, #tpu.memory_space<vmem_shared>>
      tpu.enqueue_indirect_dma source(%arg11 : memref<128x128xf32, #tpu.memory_space<vmem>>) target(%dma_start3A_67 : memref<10240x128xf32, #tpu.memory_space<vmem_shared>>) offsets(%arg9 : memref<128xi32, #tpu.memory_space<vmem>>) semaphore(%arg16 : memref<!tpu.dma_semaphore, #tpu.memory_space<semaphore_mem>>) {add = true}
      %dma_wait3A_68 = arith.constant 0 : i32
      %dma_wait3A_69 = arith.constant 0 : i32
      %dma_wait3A_70 = tpu.memref_slice %arg12[%dma_wait3A_68, %dma_wait3A_69] : memref<10240x128xf32, #tpu.memory_space<vmem_shared>> -> memref<10240x128xf32, #tpu.memory_space<vmem_shared>>
      tpu.wait_indirect_dma semaphore(%arg16 : memref<!tpu.dma_semaphore, #tpu.memory_space<semaphore_mem>>) src(%arg11 : memref<128x128xf32, #tpu.memory_space<vmem>>) dst(%dma_wait3A_70 : memref<10240x128xf32, #tpu.memory_space<vmem_shared>>)
      %scan3A_71 = arith.constant 0 : i32
      scf.yield %scan3A_71 : i32
    }
    %scan3A_20 = arith.constant 39 : i32
    %lt3A = arith.constant 4 : i32
    %lt3A_21 = arith.cmpi slt, %add3A, %lt3A : i32
    %convert_element_type3A = arith.extui %lt3A_21 : i1 to i32
    %cond3A = arith.constant 0 : i32
    %cond3A_22 = arith.cmpi ne, %convert_element_type3A, %cond3A : i32
    scf.if %cond3A_22 {
      %add3A_31 = arith.constant 2496 : i32
      %add3A_32 = arith.addi %add3A, %add3A_31 : i32
      %mul3A_33 = arith.constant 128 : i32
      %mul3A_34 = arith.muli %add3A_32, %mul3A_33 : i32
      "tpu.region"() ({
        %run_scoped3A = tpu.sem_alloc : memref<!tpu.dma_semaphore, #tpu.memory_space<semaphore_mem>>
        %dma_start3A_39 = tpu.memref_slice %arg3[%mul3A_34] : memref<320000xi32, #tpu.memory_space<hbm>> -> memref<128xi32, #tpu.memory_space<hbm>>
        %dma_start3A_40 = tpu.memref_slice %arg3[%mul3A_34] : memref<320000xi32, #tpu.memory_space<hbm>> -> memref<128xi32, #tpu.memory_space<hbm>>
        tpu.enqueue_dma source(%dma_start3A_40 : memref<128xi32, #tpu.memory_space<hbm>>) target(%arg6 : memref<128xi32, #tpu.memory_space<vmem>>) target_semaphore(%run_scoped3A : memref<!tpu.dma_semaphore, #tpu.memory_space<semaphore_mem>>)
        %dma_wait3A_41 = tpu.memref_slice %arg3[%mul3A_34] : memref<320000xi32, #tpu.memory_space<hbm>> -> memref<128xi32, #tpu.memory_space<hbm>>
        %dma_wait3A_42 = tpu.memref_slice %arg3[%mul3A_34] : memref<320000xi32, #tpu.memory_space<hbm>> -> memref<128xi32, #tpu.memory_space<hbm>>
        tpu.wait_dma2 semaphore(%run_scoped3A : memref<!tpu.dma_semaphore, #tpu.memory_space<semaphore_mem>>) src(%dma_wait3A_42 : memref<128xi32, #tpu.memory_space<hbm>>) dst(%arg6 : memref<128xi32, #tpu.memory_space<vmem>>)
        tpu.yield
      }) : () -> ()
      "tpu.region"() ({
        %run_scoped3A = tpu.sem_alloc : memref<!tpu.dma_semaphore, #tpu.memory_space<semaphore_mem>>
        %dma_start3A_39 = tpu.memref_slice %arg4[%mul3A_34] : memref<320000xi32, #tpu.memory_space<hbm>> -> memref<128xi32, #tpu.memory_space<hbm>>
        %dma_start3A_40 = tpu.memref_slice %arg4[%mul3A_34] : memref<320000xi32, #tpu.memory_space<hbm>> -> memref<128xi32, #tpu.memory_space<hbm>>
        tpu.enqueue_dma source(%dma_start3A_40 : memref<128xi32, #tpu.memory_space<hbm>>) target(%arg7 : memref<128xi32, #tpu.memory_space<vmem>>) target_semaphore(%run_scoped3A : memref<!tpu.dma_semaphore, #tpu.memory_space<semaphore_mem>>)
        %dma_wait3A_41 = tpu.memref_slice %arg4[%mul3A_34] : memref<320000xi32, #tpu.memory_space<hbm>> -> memref<128xi32, #tpu.memory_space<hbm>>
        %dma_wait3A_42 = tpu.memref_slice %arg4[%mul3A_34] : memref<320000xi32, #tpu.memory_space<hbm>> -> memref<128xi32, #tpu.memory_space<hbm>>
        tpu.wait_dma2 semaphore(%run_scoped3A : memref<!tpu.dma_semaphore, #tpu.memory_space<semaphore_mem>>) src(%dma_wait3A_42 : memref<128xi32, #tpu.memory_space<hbm>>) dst(%arg7 : memref<128xi32, #tpu.memory_space<vmem>>)
        tpu.yield
      }) : () -> ()
      %dma_start3A = arith.constant 0 : i32
      %dma_start3A_35 = arith.constant 0 : i32
      %dma_start3A_36 = tpu.memref_slice %arg2[%dma_start3A, %dma_start3A_35] : memref<10000x128xf32, #tpu.memory_space<hbm>> -> memref<10000x128xf32, #tpu.memory_space<hbm>>
      tpu.enqueue_indirect_dma source(%dma_start3A_36 : memref<10000x128xf32, #tpu.memory_space<hbm>>) target(%arg10 : memref<128x128xf32, #tpu.memory_space<vmem>>) offsets(%arg6 : memref<128xi32, #tpu.memory_space<vmem>>) semaphore(%arg13 : memref<!tpu.dma_semaphore, #tpu.memory_space<semaphore_mem>>)
      %dma_wait3A = arith.constant 0 : i32
      %dma_wait3A_37 = arith.constant 0 : i32
      %dma_wait3A_38 = tpu.memref_slice %arg2[%dma_wait3A, %dma_wait3A_37] : memref<10000x128xf32, #tpu.memory_space<hbm>> -> memref<10000x128xf32, #tpu.memory_space<hbm>>
      tpu.wait_indirect_dma semaphore(%arg13 : memref<!tpu.dma_semaphore, #tpu.memory_space<semaphore_mem>>) src(%dma_wait3A_38 : memref<10000x128xf32, #tpu.memory_space<hbm>>) dst(%arg10 : memref<128x128xf32, #tpu.memory_space<vmem>>)
      "tpu.region"() ({
        %run_scoped3A = tpu.sem_alloc : memref<!tpu.dma_semaphore, #tpu.memory_space<semaphore_mem>>
        %dma_start3A_39 = arith.constant 0 : i32
        %dma_start3A_40 = arith.constant 0 : i32
        %dma_start3A_41 = tpu.memref_slice %arg12[%dma_start3A_39, %dma_start3A_40] : memref<10240x128xf32, #tpu.memory_space<vmem_shared>> -> memref<10240x128xf32, #tpu.memory_space<vmem_shared>>
        tpu.enqueue_indirect_dma source(%arg10 : memref<128x128xf32, #tpu.memory_space<vmem>>) target(%dma_start3A_41 : memref<10240x128xf32, #tpu.memory_space<vmem_shared>>) offsets(%arg7 : memref<128xi32, #tpu.memory_space<vmem>>) semaphore(%run_scoped3A : memref<!tpu.dma_semaphore, #tpu.memory_space<semaphore_mem>>) {add = true}
        %dma_wait3A_42 = arith.constant 0 : i32
        %dma_wait3A_43 = arith.constant 0 : i32
        %dma_wait3A_44 = tpu.memref_slice %arg12[%dma_wait3A_42, %dma_wait3A_43] : memref<10240x128xf32, #tpu.memory_space<vmem_shared>> -> memref<10240x128xf32, #tpu.memory_space<vmem_shared>>
        tpu.wait_indirect_dma semaphore(%run_scoped3A : memref<!tpu.dma_semaphore, #tpu.memory_space<semaphore_mem>>) src(%arg10 : memref<128x128xf32, #tpu.memory_space<vmem>>) dst(%dma_wait3A_44 : memref<10240x128xf32, #tpu.memory_space<vmem_shared>>)
        tpu.yield
      }) : () -> ()
    } else {
    }
    %barrier3A_23 = arith.constant 0 : index
    tpu.barrier barrier_id(%barrier3A_23)
    %scan3A_24 = arith.constant 0 : i32
    %scan3A_25 = arith.constant 0 : i32
    %scan3A_26 = arith.constant 5 : i32
    %scan3A_27 = arith.addi %scan3A_25, %scan3A_26 : i32
    %scan3A_28 = arith.constant 1 : i32
    %scan3A_29 = scf.for %scan3A_31 = %scan3A_25 to %scan3A_27 step %scan3A_28 iter_args(%scan3A_32 = %scan3A_24) -> (i32)  : i32 {
      %mul3A_33 = arith.constant 640 : i32
      %mul3A_34 = arith.muli %arg1, %mul3A_33 : i32
      %mul3A_35 = arith.constant 128 : i32
      %mul3A_36 = arith.muli %scan3A_31, %mul3A_35 : i32
      %add3A_37 = arith.addi %mul3A_34, %mul3A_36 : i32
      "tpu.region"() ({
        %run_scoped3A = tpu.sem_alloc : memref<!tpu.dma_semaphore, #tpu.memory_space<semaphore_mem>>
        %dma_start3A = arith.constant 0 : i32
        %dma_start3A_39 = tpu.memref_slice %arg12[%add3A_37, %dma_start3A] : memref<10240x128xf32, #tpu.memory_space<vmem_shared>> -> memref<128x128xf32, #tpu.memory_space<vmem_shared>>
        %dma_start3A_40 = arith.constant 0 : i32
        %dma_start3A_41 = tpu.memref_slice %arg12[%add3A_37, %dma_start3A_40] : memref<10240x128xf32, #tpu.memory_space<vmem_shared>> -> memref<128x128xf32, #tpu.memory_space<vmem_shared>>
        tpu.enqueue_dma source(%dma_start3A_41 : memref<128x128xf32, #tpu.memory_space<vmem_shared>>) target(%arg10 : memref<128x128xf32, #tpu.memory_space<vmem>>) target_semaphore(%run_scoped3A : memref<!tpu.dma_semaphore, #tpu.memory_space<semaphore_mem>>)
        %dma_wait3A = arith.constant 0 : i32
        %dma_wait3A_42 = tpu.memref_slice %arg12[%add3A_37, %dma_wait3A] : memref<10240x128xf32, #tpu.memory_space<vmem_shared>> -> memref<128x128xf32, #tpu.memory_space<vmem_shared>>
        %dma_wait3A_43 = arith.constant 0 : i32
        %dma_wait3A_44 = tpu.memref_slice %arg12[%add3A_37, %dma_wait3A_43] : memref<10240x128xf32, #tpu.memory_space<vmem_shared>> -> memref<128x128xf32, #tpu.memory_space<vmem_shared>>
        tpu.wait_dma2 semaphore(%run_scoped3A : memref<!tpu.dma_semaphore, #tpu.memory_space<semaphore_mem>>) src(%dma_wait3A_44 : memref<128x128xf32, #tpu.memory_space<vmem_shared>>) dst(%arg10 : memref<128x128xf32, #tpu.memory_space<vmem>>)
        tpu.yield
      }) : () -> ()
      "tpu.region"() ({
        %run_scoped3A = tpu.sem_alloc : memref<!tpu.dma_semaphore, #tpu.memory_space<semaphore_mem>>
        %dma_start3A = arith.constant 0 : i32
        %dma_start3A_39 = tpu.memref_slice %arg5[%arg0, %add3A_37, %dma_start3A] : memref<2x10240x128xf32, #tpu.memory_space<hbm>> -> memref<1x128x128xf32, #tpu.memory_space<hbm>>
        %dma_start3A_40 = tpu.memref_squeeze %dma_start3A_39 : memref<1x128x128xf32, #tpu.memory_space<hbm>> -> memref<128x128xf32, #tpu.memory_space<hbm>>
        %dma_start3A_41 = arith.constant 0 : i32
        %dma_start3A_42 = tpu.memref_slice %arg5[%arg0, %add3A_37, %dma_start3A_41] : memref<2x10240x128xf32, #tpu.memory_space<hbm>> -> memref<1x128x128xf32, #tpu.memory_space<hbm>>
        %dma_start3A_43 = tpu.memref_squeeze %dma_start3A_42 : memref<1x128x128xf32, #tpu.memory_space<hbm>> -> memref<128x128xf32, #tpu.memory_space<hbm>>
        tpu.enqueue_dma source(%arg10 : memref<128x128xf32, #tpu.memory_space<vmem>>) target(%dma_start3A_43 : memref<128x128xf32, #tpu.memory_space<hbm>>) target_semaphore(%run_scoped3A : memref<!tpu.dma_semaphore, #tpu.memory_space<semaphore_mem>>)
        %dma_wait3A = arith.constant 0 : i32
        %dma_wait3A_44 = tpu.memref_slice %arg5[%arg0, %add3A_37, %dma_wait3A] : memref<2x10240x128xf32, #tpu.memory_space<hbm>> -> memref<1x128x128xf32, #tpu.memory_space<hbm>>
        %dma_wait3A_45 = tpu.memref_squeeze %dma_wait3A_44 : memref<1x128x128xf32, #tpu.memory_space<hbm>> -> memref<128x128xf32, #tpu.memory_space<hbm>>
        %dma_wait3A_46 = arith.constant 0 : i32
        %dma_wait3A_47 = tpu.memref_slice %arg5[%arg0, %add3A_37, %dma_wait3A_46] : memref<2x10240x128xf32, #tpu.memory_space<hbm>> -> memref<1x128x128xf32, #tpu.memory_space<hbm>>
        %dma_wait3A_48 = tpu.memref_squeeze %dma_wait3A_47 : memref<1x128x128xf32, #tpu.memory_space<hbm>> -> memref<128x128xf32, #tpu.memory_space<hbm>>
        tpu.wait_dma2 semaphore(%run_scoped3A : memref<!tpu.dma_semaphore, #tpu.memory_space<semaphore_mem>>) src(%arg10 : memref<128x128xf32, #tpu.memory_space<vmem>>) dst(%dma_wait3A_48 : memref<128x128xf32, #tpu.memory_space<hbm>>)
        tpu.yield
      }) : () -> ()
      %scan3A_38 = arith.constant 0 : i32
      scf.yield %scan3A_38 : i32
    }
    %scan3A_30 = arith.constant 5 : i32
    return
  }
}

module attributes {stable_mosaic.version = 14 : i64} {
  func.func @_tc_pre_body(%arg0: i32, %arg1: memref<2x2000x1xf32, #tpu.memory_space<vmem>>, %arg2: memref<2000x128xf32, #tpu.memory_space<vmem>>, %arg3: memref<128x128xf32, #tpu.memory_space<vmem>>, %arg4: memref<2000x128xf32, #tpu.memory_space<vmem>>, %arg5: memref<2000x1xf32, #tpu.memory_space<vmem>>) attributes {dimension_semantics = [#tpu.dimension_semantics<arbitrary>], iteration_bounds = array<i64: 5>, scalar_prefetch = 0 : i64, scratch_operands = 0 : i64, tpu.core_type = #tpu.core_type<tc>, window_params = [{transform_indices = @transform_0, window_bounds = array<i64: 2, 2000, 1>}, {transform_indices = @transform_1, window_bounds = array<i64: 2000, 128>}, {pipeline_mode = #tpu.pipeline_mode<synchronous>, transform_indices = @transform_2, window_bounds = array<i64: 128, 128>}, {transform_indices = @transform_3, window_bounds = array<i64: 2000, 128>}, {transform_indices = @transform_4, window_bounds = array<i64: 2000, 1>}]} {
    %get3A = arith.constant 0 : index
    %get3A_0 = arith.constant 0 : index
    %get3A_1 = arith.constant 0 : index
    %get3A_2 = vector.load %arg1[%get3A, %get3A_0, %get3A_1] : memref<2x2000x1xf32, #tpu.memory_space<vmem>>, vector<1x2000x1xf32>
    %get3A_3 = vector.shape_cast %get3A_2 : vector<1x2000x1xf32> to vector<2000x1xf32>
    %get3A_4 = arith.constant 1 : index
    %get3A_5 = arith.constant 0 : index
    %get3A_6 = arith.constant 0 : index
    %get3A_7 = vector.load %arg1[%get3A_4, %get3A_5, %get3A_6] : memref<2x2000x1xf32, #tpu.memory_space<vmem>>, vector<1x2000x1xf32>
    %get3A_8 = vector.shape_cast %get3A_7 : vector<1x2000x1xf32> to vector<2000x1xf32>
    %add3A = arith.addf %get3A_3, %get3A_8 : vector<2000x1xf32>
    %add3A_9 = arith.constant 1.000000e+00 : f32
    %add3A_10 = vector.broadcast %add3A_9 : f32 to vector<2000x1xf32>
    %add3A_11 = arith.addf %add3A, %add3A_10 : vector<2000x1xf32>
    %rsqrt3A = math.rsqrt %add3A_11 : vector<2000x1xf32>
    %swap3A = arith.constant 0 : index
    %swap3A_12 = arith.constant 0 : index
    %swap3A_13 = vector.load %arg5[%swap3A, %swap3A_12] : memref<2000x1xf32, #tpu.memory_space<vmem>>, vector<2000x1xf32>
    tpu.vector_store %arg5[%swap3A, %swap3A_12], %rsqrt3A {strides = array<i32>} : memref<2000x1xf32, #tpu.memory_space<vmem>>, vector<2000x1xf32>,
    %get3A_14 = arith.constant 0 : index
    %get3A_15 = arith.constant 0 : index
    %get3A_16 = vector.load %arg2[%get3A_14, %get3A_15] : memref<2000x128xf32, #tpu.memory_space<vmem>>, vector<2000x128xf32>
    %get3A_17 = arith.constant 0 : index
    %get3A_18 = arith.constant 0 : index
    %get3A_19 = vector.load %arg3[%get3A_17, %get3A_18] : memref<128x128xf32, #tpu.memory_space<vmem>>, vector<128x128xf32>
    %dot_general3A = arith.constant dense<0.000000e+00> : vector<2000x128xf32>
    %dot_general3A_20 = tpu.matmul %get3A_16, %get3A_19, %dot_general3A {dimension_numbers = #tpu.dot_dimension_numbers<[1], [0], [0], [1], [0, 0, 1, 1], [], []>, transpose_lhs_hint = false} : vector<2000x128xf32>, vector<128x128xf32>, vector<2000x128xf32> -> vector<2000x128xf32>
    %mul3A = vector.broadcast %rsqrt3A : vector<2000x1xf32> to vector<2000x128xf32>
    %mul3A_21 = arith.mulf %dot_general3A_20, %mul3A : vector<2000x128xf32>
    %swap3A_22 = arith.constant 0 : index
    %swap3A_23 = arith.constant 0 : index
    %swap3A_24 = vector.load %arg4[%swap3A_22, %swap3A_23] : memref<2000x128xf32, #tpu.memory_space<vmem>>, vector<2000x128xf32>
    tpu.vector_store %arg4[%swap3A_22, %swap3A_23], %mul3A_21 {strides = array<i32>} : memref<2000x128xf32, #tpu.memory_space<vmem>>, vector<2000x128xf32>,
    return
  }
  func.func @transform_0(%arg0: i32) -> (i32, i32, i32) {
    %c0_i32 = arith.constant 0 : i32
    %c0_i32_0 = arith.constant 0 : i32
    %c0_i32_1 = arith.constant 0 : i32
    return %c0_i32, %arg0, %c0_i32_0 : i32, i32, i32
  }
  func.func @transform_1(%arg0: i32) -> (i32, i32) {
    %c0_i32 = arith.constant 0 : i32
    %c0_i32_0 = arith.constant 0 : i32
    return %arg0, %c0_i32 : i32, i32
  }
  func.func @transform_2(%arg0: i32) -> (i32, i32) {
    %c0_i32 = arith.constant 0 : i32
    %c0_i32_0 = arith.constant 0 : i32
    %c0_i32_1 = arith.constant 0 : i32
    return %c0_i32, %c0_i32_0 : i32, i32
  }
  func.func @transform_3(%arg0: i32) -> (i32, i32) {
    %c0_i32 = arith.constant 0 : i32
    %c0_i32_0 = arith.constant 0 : i32
    return %arg0, %c0_i32 : i32, i32
  }
  func.func @transform_4(%arg0: i32) -> (i32, i32) {
    %c0_i32 = arith.constant 0 : i32
    %c0_i32_0 = arith.constant 0 : i32
    return %arg0, %c0_i32 : i32, i32
  }
}

module attributes {stable_mosaic.version = 14 : i64} {
  func.func @_tc_mid_body(%arg0: i32, %arg1: memref<1x2000x128xf32, #tpu.memory_space<vmem>>, %arg2: memref<1x2000x128xf32, #tpu.memory_space<vmem>>, %arg3: memref<2000x128xf32, #tpu.memory_space<vmem>>, %arg4: memref<2000x1xf32, #tpu.memory_space<vmem>>, %arg5: memref<1x128xf32, #tpu.memory_space<vmem>>, %arg6: memref<128x128xf32, #tpu.memory_space<vmem>>, %arg7: memref<2000x128xf32, #tpu.memory_space<vmem>>) attributes {dimension_semantics = [#tpu.dimension_semantics<arbitrary>], iteration_bounds = array<i64: 5>, scalar_prefetch = 0 : i64, scratch_operands = 0 : i64, tpu.core_type = #tpu.core_type<tc>, window_params = [{transform_indices = @transform_0, window_bounds = array<i64: 1, 2000, 128>}, {transform_indices = @transform_1, window_bounds = array<i64: 1, 2000, 128>}, {transform_indices = @transform_2, window_bounds = array<i64: 2000, 128>}, {transform_indices = @transform_3, window_bounds = array<i64: 2000, 1>}, {pipeline_mode = #tpu.pipeline_mode<synchronous>, transform_indices = @transform_4, window_bounds = array<i64: 1, 128>}, {pipeline_mode = #tpu.pipeline_mode<synchronous>, transform_indices = @transform_5, window_bounds = array<i64: 128, 128>}, {transform_indices = @transform_6, window_bounds = array<i64: 2000, 128>}]} {
    %get3A = arith.constant 0 : index
    %get3A_0 = arith.constant 0 : index
    %get3A_1 = vector.load %arg4[%get3A, %get3A_0] : memref<2000x1xf32, #tpu.memory_space<vmem>>, vector<2000x1xf32>
    %get3A_2 = arith.constant 0 : index
    %get3A_3 = arith.constant 0 : index
    %get3A_4 = arith.constant 0 : index
    %get3A_5 = vector.load %arg1[%get3A_2, %get3A_3, %get3A_4] : memref<1x2000x128xf32, #tpu.memory_space<vmem>>, vector<1x2000x128xf32>
    %get3A_6 = vector.shape_cast %get3A_5 : vector<1x2000x128xf32> to vector<2000x128xf32>
    %get3A_7 = arith.constant 0 : index
    %get3A_8 = arith.constant 0 : index
    %get3A_9 = arith.constant 0 : index
    %get3A_10 = vector.load %arg2[%get3A_7, %get3A_8, %get3A_9] : memref<1x2000x128xf32, #tpu.memory_space<vmem>>, vector<1x2000x128xf32>
    %get3A_11 = vector.shape_cast %get3A_10 : vector<1x2000x128xf32> to vector<2000x128xf32>
    %add3A = arith.addf %get3A_6, %get3A_11 : vector<2000x128xf32>
    %get3A_12 = arith.constant 0 : index
    %get3A_13 = arith.constant 0 : index
    %get3A_14 = vector.load %arg3[%get3A_12, %get3A_13] : memref<2000x128xf32, #tpu.memory_space<vmem>>, vector<2000x128xf32>
    %add3A_15 = arith.addf %add3A, %get3A_14 : vector<2000x128xf32>
    %mul3A = vector.broadcast %get3A_1 : vector<2000x1xf32> to vector<2000x128xf32>
    %mul3A_16 = arith.mulf %mul3A, %add3A_15 : vector<2000x128xf32>
    %get3A_17 = arith.constant 0 : index
    %get3A_18 = arith.constant 0 : index
    %get3A_19 = vector.load %arg5[%get3A_17, %get3A_18] : memref<1x128xf32, #tpu.memory_space<vmem>>, vector<1x128xf32>
    %add3A_20 = vector.broadcast %get3A_19 : vector<1x128xf32> to vector<2000x128xf32>
    %add3A_21 = arith.addf %mul3A_16, %add3A_20 : vector<2000x128xf32>
    %max3A = arith.constant 0.000000e+00 : f32
    %max3A_22 = vector.broadcast %max3A : f32 to vector<2000x128xf32>
    %max3A_23 = arith.maximumf %add3A_21, %max3A_22 : vector<2000x128xf32>
    %get3A_24 = arith.constant 0 : index
    %get3A_25 = arith.constant 0 : index
    %get3A_26 = vector.load %arg6[%get3A_24, %get3A_25] : memref<128x128xf32, #tpu.memory_space<vmem>>, vector<128x128xf32>
    %dot_general3A = arith.constant dense<0.000000e+00> : vector<2000x128xf32>
    %dot_general3A_27 = tpu.matmul %max3A_23, %get3A_26, %dot_general3A {dimension_numbers = #tpu.dot_dimension_numbers<[1], [0], [0], [1], [0, 0, 1, 1], [], []>, transpose_lhs_hint = false} : vector<2000x128xf32>, vector<128x128xf32>, vector<2000x128xf32> -> vector<2000x128xf32>
    %mul3A_28 = vector.broadcast %get3A_1 : vector<2000x1xf32> to vector<2000x128xf32>
    %mul3A_29 = arith.mulf %dot_general3A_27, %mul3A_28 : vector<2000x128xf32>
    %swap3A = arith.constant 0 : index
    %swap3A_30 = arith.constant 0 : index
    %swap3A_31 = vector.load %arg7[%swap3A, %swap3A_30] : memref<2000x128xf32, #tpu.memory_space<vmem>>, vector<2000x128xf32>
    tpu.vector_store %arg7[%swap3A, %swap3A_30], %mul3A_29 {strides = array<i32>} : memref<2000x128xf32, #tpu.memory_space<vmem>>, vector<2000x128xf32>,
    return
  }
  func.func @transform_0(%arg0: i32) -> (i32, i32, i32) {
    %c0_i32 = arith.constant 0 : i32
    %c0_i32_0 = arith.constant 0 : i32
    %c0_i32_1 = arith.constant 0 : i32
    return %c0_i32, %arg0, %c0_i32_0 : i32, i32, i32
  }
  func.func @transform_1(%arg0: i32) -> (i32, i32, i32) {
    %c1_i32 = arith.constant 1 : i32
    %c0_i32 = arith.constant 0 : i32
    %c0_i32_0 = arith.constant 0 : i32
    return %c1_i32, %arg0, %c0_i32 : i32, i32, i32
  }
  func.func @transform_2(%arg0: i32) -> (i32, i32) {
    %c0_i32 = arith.constant 0 : i32
    %c0_i32_0 = arith.constant 0 : i32
    return %arg0, %c0_i32 : i32, i32
  }
  func.func @transform_3(%arg0: i32) -> (i32, i32) {
    %c0_i32 = arith.constant 0 : i32
    %c0_i32_0 = arith.constant 0 : i32
    return %arg0, %c0_i32 : i32, i32
  }
  func.func @transform_4(%arg0: i32) -> (i32, i32) {
    %c0_i32 = arith.constant 0 : i32
    %c0_i32_0 = arith.constant 0 : i32
    %c0_i32_1 = arith.constant 0 : i32
    return %c0_i32, %c0_i32_0 : i32, i32
  }
  func.func @transform_5(%arg0: i32) -> (i32, i32) {
    %c0_i32 = arith.constant 0 : i32
    %c0_i32_0 = arith.constant 0 : i32
    %c0_i32_1 = arith.constant 0 : i32
    return %c0_i32, %c0_i32_0 : i32, i32
  }
  func.func @transform_6(%arg0: i32) -> (i32, i32) {
    %c0_i32 = arith.constant 0 : i32
    %c0_i32_0 = arith.constant 0 : i32
    return %arg0, %c0_i32 : i32, i32
  }
}

module attributes {stable_mosaic.version = 14 : i64} {
  func.func @_tc_post_body(%arg0: i32, %arg1: memref<1x2000x128xf32, #tpu.memory_space<vmem>>, %arg2: memref<1x2000x128xf32, #tpu.memory_space<vmem>>, %arg3: memref<2000x128xf32, #tpu.memory_space<vmem>>, %arg4: memref<2000x1xf32, #tpu.memory_space<vmem>>, %arg5: memref<1x128xf32, #tpu.memory_space<vmem>>, %arg6: memref<2000x128xf32, #tpu.memory_space<vmem>>) attributes {dimension_semantics = [#tpu.dimension_semantics<arbitrary>], iteration_bounds = array<i64: 5>, scalar_prefetch = 0 : i64, scratch_operands = 0 : i64, tpu.core_type = #tpu.core_type<tc>, window_params = [{transform_indices = @transform_0, window_bounds = array<i64: 1, 2000, 128>}, {transform_indices = @transform_1, window_bounds = array<i64: 1, 2000, 128>}, {transform_indices = @transform_2, window_bounds = array<i64: 2000, 128>}, {transform_indices = @transform_3, window_bounds = array<i64: 2000, 1>}, {pipeline_mode = #tpu.pipeline_mode<synchronous>, transform_indices = @transform_4, window_bounds = array<i64: 1, 128>}, {transform_indices = @transform_5, window_bounds = array<i64: 2000, 128>}]} {
    %get3A = arith.constant 0 : index
    %get3A_0 = arith.constant 0 : index
    %get3A_1 = vector.load %arg4[%get3A, %get3A_0] : memref<2000x1xf32, #tpu.memory_space<vmem>>, vector<2000x1xf32>
    %get3A_2 = arith.constant 0 : index
    %get3A_3 = arith.constant 0 : index
    %get3A_4 = arith.constant 0 : index
    %get3A_5 = vector.load %arg1[%get3A_2, %get3A_3, %get3A_4] : memref<1x2000x128xf32, #tpu.memory_space<vmem>>, vector<1x2000x128xf32>
    %get3A_6 = vector.shape_cast %get3A_5 : vector<1x2000x128xf32> to vector<2000x128xf32>
    %get3A_7 = arith.constant 0 : index
    %get3A_8 = arith.constant 0 : index
    %get3A_9 = arith.constant 0 : index
    %get3A_10 = vector.load %arg2[%get3A_7, %get3A_8, %get3A_9] : memref<1x2000x128xf32, #tpu.memory_space<vmem>>, vector<1x2000x128xf32>
    %get3A_11 = vector.shape_cast %get3A_10 : vector<1x2000x128xf32> to vector<2000x128xf32>
    %add3A = arith.addf %get3A_6, %get3A_11 : vector<2000x128xf32>
    %get3A_12 = arith.constant 0 : index
    %get3A_13 = arith.constant 0 : index
    %get3A_14 = vector.load %arg3[%get3A_12, %get3A_13] : memref<2000x128xf32, #tpu.memory_space<vmem>>, vector<2000x128xf32>
    %add3A_15 = arith.addf %add3A, %get3A_14 : vector<2000x128xf32>
    %mul3A = vector.broadcast %get3A_1 : vector<2000x1xf32> to vector<2000x128xf32>
    %mul3A_16 = arith.mulf %mul3A, %add3A_15 : vector<2000x128xf32>
    %get3A_17 = arith.constant 0 : index
    %get3A_18 = arith.constant 0 : index
    %get3A_19 = vector.load %arg5[%get3A_17, %get3A_18] : memref<1x128xf32, #tpu.memory_space<vmem>>, vector<1x128xf32>
    %add3A_20 = vector.broadcast %get3A_19 : vector<1x128xf32> to vector<2000x128xf32>
    %add3A_21 = arith.addf %mul3A_16, %add3A_20 : vector<2000x128xf32>
    %max3A = arith.constant 0.000000e+00 : f32
    %max3A_22 = vector.broadcast %max3A : f32 to vector<2000x128xf32>
    %max3A_23 = arith.maximumf %add3A_21, %max3A_22 : vector<2000x128xf32>
    %swap3A = arith.constant 0 : index
    %swap3A_24 = arith.constant 0 : index
    %swap3A_25 = vector.load %arg6[%swap3A, %swap3A_24] : memref<2000x128xf32, #tpu.memory_space<vmem>>, vector<2000x128xf32>
    tpu.vector_store %arg6[%swap3A, %swap3A_24], %max3A_23 {strides = array<i32>} : memref<2000x128xf32, #tpu.memory_space<vmem>>, vector<2000x128xf32>,
    return
  }
  func.func @transform_0(%arg0: i32) -> (i32, i32, i32) {
    %c0_i32 = arith.constant 0 : i32
    %c0_i32_0 = arith.constant 0 : i32
    %c0_i32_1 = arith.constant 0 : i32
    return %c0_i32, %arg0, %c0_i32_0 : i32, i32, i32
  }
  func.func @transform_1(%arg0: i32) -> (i32, i32, i32) {
    %c1_i32 = arith.constant 1 : i32
    %c0_i32 = arith.constant 0 : i32
    %c0_i32_0 = arith.constant 0 : i32
    return %c1_i32, %arg0, %c0_i32 : i32, i32, i32
  }
  func.func @transform_2(%arg0: i32) -> (i32, i32) {
    %c0_i32 = arith.constant 0 : i32
    %c0_i32_0 = arith.constant 0 : i32
    return %arg0, %c0_i32 : i32, i32
  }
  func.func @transform_3(%arg0: i32) -> (i32, i32) {
    %c0_i32 = arith.constant 0 : i32
    %c0_i32_0 = arith.constant 0 : i32
    return %arg0, %c0_i32 : i32, i32
  }
  func.func @transform_4(%arg0: i32) -> (i32, i32) {
    %c0_i32 = arith.constant 0 : i32
    %c0_i32_0 = arith.constant 0 : i32
    %c0_i32_1 = arith.constant 0 : i32
    return %c0_i32, %c0_i32_0 : i32, i32
  }
  func.func @transform_5(%arg0: i32) -> (i32, i32) {
    %c0_i32 = arith.constant 0 : i32
    %c0_i32_0 = arith.constant 0 : i32
    return %arg0, %c0_i32 : i32, i32
  }
}

</mosaic_0001>

<sc_bundles>
// kernel: kernel.11.cloned.1.call-start
scs
__scs_entry_jumppad:
0x0: {  	(pc) =	sbr.rel $0x88, $3  }
0x1: {  	(tag) =	ssettag $0x0;
	lr =	simm.s32 $0x1  }
0x2: {  	[smem:$0x3F9B] =	sst lr;
	_ =	strace $0xD0000000  }
0x3: {  	_ = 	snop  }
0x4: {  	_ = 	snop  }
0x5: {  	_ = 	snop  }
0x6: {  	_ = 	snop  }
0x7: {  	_ = 	snop  }
__scs_overlays_trampoline_lowered:
0x8: {  	[smem:$0x3FAA] =	sst s0  }
0x9: {  	[smem:$0x3FAB] =	sst s1  }
0xa: {  	[smem:$0x3FAC] =	sst s2  }
0xb: {  	[smem:$0x3FAD] =	sst s3  }
0xc: {  	[smem:$0x3FAE] =	sst s4  }
0xd: {  	[smem:$0x3FAF] =	sst s5  }
0xe: {  	[smem:$0x3FB0] =	sst s6  }
0xf: {  	[smem:$0x3FB1] =	sst s7  }
0x10: {  	[smem:$0x3FB2] =	sst s8  }
0x11: {  	[smem:$0x3FB3] =	sst s9;
	s0 =	simm.s32 @!p0 $0x0  }
0x12: {  	s1 =	sld [smem:$0x3F99];
	s0 =	simm.s32 @p0 $0x1  }
0x13: {  	[smem:$0x3FB4] =	sst s0;
	s0 =	simm.s32 @!p1 $0x0  }
0x14: {  	s2 =	sld [smem:$0x3F98];
	s0 =	simm.s32 @p1 $0x1  }
0x15: {  	[smem:$0x3FB5] =	sst s0;
	s0 =	simm.s32 @!p2 $0x0  }
0x16: {  	s3 =	sld [smem:$0x3FDB];
	s0 =	simm.s32 @p2 $0x1  }
0x17: {  	s4 =	simm.s32 $0x1BF5;
	[smem:$0x3FB7] =	sst s0  }
0x18: {  	s0 =	sld [smem:$0x3F9A];
	_ =	swait.ge [sflag:s4], $0x0  }
0x19: {  	s7 =	sld [smem:$0x3F9B]  }
0x1a: {  	s8 =	sadd.s32 $0xFFFFE003, lr  }
0x1b: {  	s9 =	sadd.s32 $0xFFFFFEF7, lr;
	s5 =	simm.s32 $0xFFFFFFFF;
	p2 =	slt.u32 s8, $0xFFFFF086  }
0x1c: {  	p1 =	slt.u32 s9, $0xF7A;
	s5 =	simm.s32 @!p2 $0x0  }
0x1d: {  	s5 =	simm.s32 @p1 $0x1;
	p0 =	seq.s32 s7, s2  }
0x1e: {  	s7 =	smul.u32 @!p0 $0xF7A, s2;
	p2 =	seq.s32 @!p0 s5, $0x0  }
0x1f: {  	s9 =	smul.u32 $0xF7A, s1;
	s8 =	simm.s32 @!p0 $0x1BF5;
	p2 =	por !p2, p0  }
0x20: {  	[sflag:s8] =	ssyncset.s32 @!p0 $0xFFFFF086;
	s6 =	sadd.s32 @!p0 s3, s7;
	s7 =	simm.s32 @!p0 $0x108  }
0x21: {  	s3 =	sadd.s32 s3, s9;
	s6 =	sadd.s32 @!p0 $0x88, s6;
	s7 =	simm.s32 @p2 $0x1082  }
0x22: {  	[simem:s7], [sflag:s8] =	dma.local @!p0 [hbm:s6], $0xF7A  }
0x23: {  	s9 =	sor.u32 $0xD0000000, s2;
	s6 =	simm.s32 $0x108;
	_ =	swait.ge @!p0 [sflag:s8], $0x0  }
0x24: {  	s3 =	sadd.s32 $0x88, s3;
	s6 =	simm.s32 @!p1 $0x1082;
	[sflag:s4] =	ssyncset.s32 $0xFFFFF086  }
0x25: {  	[simem:s6], [sflag:s4] =	dma.local [hbm:s3], $0xF7A  }
0x26: {  	[smem:$0x3F9B] =	sst s1;
	(tag) =	ssettag s2;
	_ =	strace s9  }
0x27: {  	s1 =	sld [smem:$0x3FAB]  }
0x28: {  	s2 =	sld [smem:$0x3FAC]  }
0x29: {  	s4 =	sld [smem:$0x3FAE]  }
0x2a: {  	p0 =	seq.s32 s5, $0x0;
	s5 =	sld [smem:$0x3FAF]  }
0x2b: {  	s6 =	sld [smem:$0x3FB0]  }
0x2c: {  	s7 =	sld [smem:$0x3FB1]  }
0x2d: {  	s3 =	simm.s32 $0x108;
	s8 =	sld [smem:$0x3FB2]  }
0x2e: {  	s3 =	simm.s32 @!p0 $0x1082;
	s9 =	sld [smem:$0x3FB3]  }
0x2f: {  	lr =	sadd.s32 s0, s3;
	s0 =	sld [smem:$0x3FAA]  }
0x30: {  	s3 =	sld [smem:$0x3FAD]  }
0x31: {  	[smem:$0x3FB6] =	sst s10  }
0x32: {  	s10 =	sld [smem:$0x3FB4];
	_ =	sdelay $0x3  }
0x33: {  	p0 =	seq.s32 s10, $0x1;
	s10 =	sld [smem:$0x3FB6];
	_ =	sdelay $0x3  }
0x34: {  	[smem:$0x3FB6] =	sst s10  }
0x35: {  	s10 =	sld [smem:$0x3FB5];
	_ =	sdelay $0x3  }
0x36: {  	p1 =	seq.s32 s10, $0x1;
	s10 =	sld [smem:$0x3FB6];
	_ =	sdelay $0x3  }
0x37: {  	[smem:$0x3FB6] =	sst s10  }
0x38: {  	s10 =	sld [smem:$0x3FB7]  }
0x39: {  	_ = 	snop;
	(pc) =	sbr.ind lr, $3  }
0x3a: {  	_ = 	snop  }
0x3b: {  	_ = 	snop  }
0x3c: {  	p2 =	seq.s32 s10, $0x1;
	s10 =	sld [smem:$0x3FB6]  }
0x3d: {  	_ =	shalt  }
0x3e: {  	_ =	shalt  }
0x3f: {  	_ =	shalt  }
0x40: {  	_ =	shalt  }
0x41: {  	_ =	shalt  }
0x42: {  	_ =	shalt  }
0x43: {  	_ =	shalt  }
0x44: {  	_ =	shalt  }
0x45: {  	_ =	shalt  }
0x46: {  	_ =	shalt  }
0x47: {  	_ =	shalt  }
0x48: {  	_ =	shalt  }
0x49: {  	_ =	shalt  }
0x4a: {  	_ =	shalt  }
0x4b: {  	_ =	shalt  }
0x4c: {  	_ =	shalt  }
0x4d: {  	_ =	shalt  }
0x4e: {  	_ =	shalt  }
0x4f: {  	_ =	shalt  }
0x50: {  	_ =	shalt  }
0x51: {  	_ =	shalt  }
0x52: {  	_ =	shalt  }
0x53: {  	_ =	shalt  }
0x54: {  	_ =	shalt  }
0x55: {  	_ =	shalt  }
0x56: {  	_ =	shalt  }
0x57: {  	_ =	shalt  }
0x58: {  	_ =	shalt  }
0x59: {  	_ =	shalt  }
0x5a: {  	_ =	shalt  }
0x5b: {  	_ =	shalt  }
0x5c: {  	_ =	shalt  }
0x5d: {  	_ =	shalt  }
0x5e: {  	_ =	shalt  }
0x5f: {  	_ =	shalt  }
0x60: {  	_ =	shalt  }
0x61: {  	_ =	shalt  }
0x62: {  	_ =	shalt  }
0x63: {  	_ =	shalt  }
0x64: {  	_ =	shalt  }
0x65: {  	_ =	shalt  }
0x66: {  	_ =	shalt  }
0x67: {  	_ =	shalt  }
0x68: {  	_ =	shalt  }
0x69: {  	_ =	shalt  }
0x6a: {  	_ =	shalt  }
0x6b: {  	_ =	shalt  }
0x6c: {  	_ =	shalt  }
0x6d: {  	_ =	shalt  }
0x6e: {  	_ =	shalt  }
0x6f: {  	_ =	shalt  }
0x70: {  	_ =	shalt  }
0x71: {  	_ =	shalt  }
0x72: {  	_ =	shalt  }
0x73: {  	_ =	shalt  }
0x74: {  	_ =	shalt  }
0x75: {  	_ =	shalt  }
0x76: {  	_ =	shalt  }
0x77: {  	_ =	shalt  }
0x78: {  	_ =	shalt  }
0x79: {  	_ =	shalt  }
0x7a: {  	_ =	shalt  }
0x7b: {  	_ =	shalt  }
0x7c: {  	_ =	shalt  }
0x7d: {  	_ =	shalt  }
0x7e: {  	_ =	shalt  }
0x7f: {  	_ =	shalt  }
0x80: {  	_ =	shalt  }
0x81: {  	_ =	shalt  }
0x82: {  	_ =	shalt  }
0x83: {  	_ =	shalt  }
0x84: {  	_ =	shalt  }
0x85: {  	_ =	shalt  }
0x86: {  	_ =	shalt  }
0x87: {  	_ =	shalt  }
.Lfunc_end0:
.L_simem_size_0:
called_computation.1_lowered:
.L_overlay_start_0:
0x88: {  	s2 =	sld [smem:$0x3FD9]  }
0x89: {  	s3 =	sld [smem:$0x3FFE];
	_ =	sdelay $0x1  }
0x8a: {  	s1 =	srdreg.scid  }
0x8b: {  	s0 =	sand.u32 $0x1, s1  }
0x8c: {  	s17 =	sshll.u32 s0, $0xA;
	s2 =	sadd.s32 s3, s2  }
0x8d: {  	s2 =	sadd.s32 s2, s17  }
0x8e: {  	[smem:$0x3FC2] =	sst s2  }
0x8f: {  	_ = 	snop  }
0x90: {  	s2 =	sld [smem:$0x3FD0];
	(tm) =	ssettm $0x1  }
0x91: {  	s18 =	sld [smem:$0x3FFB];
	_ =	sdelay $0x3  }
0x92: {  	_ =	strace s18  }
0x93: {  	s3 =	sld [smem:$0x3FFC];
	_ =	sdelay $0x3  }
0x94: {  	_ =	strace s3  }
0x95: {  	s3 =	sld [smem:$0x3FFD];
	_ =	sdelay $0x3  }
0x96: {  	_ =	strace s3  }
0x97: {  	_ =	strace $0x8FFFFFFF  }
0x98: {  	s19 =	sld [smem:$0x3FDB];
	_ =	sdelay $0x1  }
0x99: {  	s4 =	simm.s32 $_scs_section_size  }
0x9a: {  	s5 =	simm.s32 $_size__tile_overlayer_lowered;
	s6 =	simm.s32 $_tile_overlayer_lowered  }
0x9b: {  	s22 =	simm.s32 $0x1BFF;
	s21 =	sshll.u32 s6, $0x1;
	s3 =	sadd.s32 s4, s19  }
0x9c: {  	s7 =	simm.s32 $0x0;
	s20 =	sshll.u32 s5, $0x1;
	s5 =	sadd.s32 s21, s3  }
0x9d: {  	[timem:s7], [sflag:s22] =	dma.local [hbm:s5], s20  }
0x9e: {  	_ =	swait.ge [sflag:s22], s20  }
0x9f: {  	s4 =	ssub.s32 $0x0, s20;
	[sflag:s22] =	ssyncset.done $0x0  }
0xa0: {  	[sflag:s22] =	ssyncadd.s32 s4;
	_ =	sdelay $0x1  }
0xa1: {  	s23 =	simm.s32 $0x1B8B  }
0xa2: {  	_ =	swait.ge [sflag:s23], $0x1  }
0xa3: {  	[sflag:s23] =	ssyncset.done $0x0  }
0xa4: {  	s25 =	simm.s32 $0x1B8E;
	s24 =	sld [smem:$0x3FFE];
	[sflag:s23] =	ssyncadd.s32 $0xFFFFFFFF  }
0xa5: {  	s26 =	simm.s32 $execute0_lowered;
	[smem:$0x3FD2] =	sst s25  }
0xa6: {  	s5 =	sshll.u32 s26, $0x1;
	_ =	strace $0x80000049;
	[dreg:$0x1] =	wrdreg $0xFFFFFFFF  }
0xa7: {  	s28 =	simm.s32 $_size_execute0_lowered;
	s3 =	sadd.s32 s3, s5;
	[dreg:$0x0] =	wrdreg $0x0  }
0xa8: {  	s5 =	sshll.u32 s28, $0x1;
	[dreg:$0x2] =	wrdreg s3  }
0xa9: {  	[dreg:$0x3] =	wrdreg s5  }
0xaa: {  	[dreg:$0x4] =	wrdreg $0xC0  }
0xab: {  	_ =	task [dreg:s7], $0x5FFFF  }
0xac: {  	[dreg:$0x1] =	wrdreg $0xFFFFFFFF  }
0xad: {  	[dreg:$0x0] =	wrdreg $0x60  }
0xae: {  	[dreg:$0x2] =	wrdreg s2  }
0xaf: {  	[dreg:$0x3] =	wrdreg s24  }
0xb0: {  	[dreg:$0x4] =	wrdreg $0x82000  }
0xb1: {  	[dreg:$0x5] =	wrdreg $0x9  }
0xb2: {  	_ =	task.clear_ibuf [dreg:s7], $0x6FFFF;
	_ =	strace $0x90000049  }
0xb3: {  	s29 =	simm.s32 $0x9;
	_ =	strace $0x8000004B  }
0xb4: {  	_ =	swait.ge [sflag:s29], $0x1  }
0xb5: {  	[sflag:s29] =	ssyncadd.s32 $0xFFFFFFFF  }
0xb6: {  	_ =	strace $0x9000004B  }
0xb7: {  	_ =	sfence  }
0xb8: {  	s30 =	sld [smem:$0x0];
	_ =	sdelay $0x2  }
0xb9: {  	s31 =	sshll.u32 s1, $0xD;
	s1 =	sshrl.u32 s1, $0x2  }
0xba: {  	s3 =	sand.u32 $0x4000, s31;
	s1 =	sadd.s32 s1, s30  }
0xbb: {  	s0 =	sor.u32 s3, s0;
	s1 =	sshll.u32 s1, $0x11  }
0xbc: {  	s0 =	sor.u32 s1, s0  }
0xbd: {  	s0 =	sadd.s32 $0x8F2B, s0  }
0xbe: {  	[sflag:s0] =	ssyncadd.remote.s32 $0x1  }
0xbf: {  	_ =	sfence.sel $0xFFFF  }
0xc0: {  	[dreg:$0x0] =	wrdreg $0xFFFFFFFF;
	(pc) =	sbr.abs _section_cstart, $3  }
0xc1: {  	[dreg:$0x1] =	wrdreg $0xFFFFFFFF  }
0xc2: {  	_ =	task.clear_ibuf [dreg:s7], $0x2FFFF;
	_ =	strace $0x9FFFFFFF  }
0xc3: {  	(tm) =	ssettm $0x7FFFFFFF  }
tec
execute0_lowered:
.L_overlay_start_1:
0x0: {  	(tag) =	ssettag $0x1  }
0x1: {  	s1 =	rddreg [dreg:$0x0]  }
0x2: {  	s0 =	rddreg [dreg:$0x1]  }
0x3: {  	s2 =	rddreg [dreg:$0x2]  }
0x4: {  	s3 =	simm.s32 $0x0;
	s4 =	srdreg.scid;
	s11 =	stileid.u32  }
0x5: {  	s28 =	simm.s32 $0x1;
	s29 =	simm.s32 $0x100;
	s30 =	simm.s32 $0x180  }
0x6: {  	s31 =	simm.s32 $0x4200;
	[smem:$0x7FF] =	sst s3;
	s4 =	sand.u32 $0x1, s4  }
0x7: {  	s6 =	sadd.s32 $0x1A00, s0;
	s7 =	sadd.s32 $0xB800, s0;
	s9 =	smul.u32 $0x50000, s11  }
0x8: {  	s0 =	sadd.s32 $0x15600, s0;
	s23 =	sshll.u32 s11, $0x4;
	s14 =	smul.u32 $0x14000, s11  }
0x9: {  	_ =	strace $0x8000004A;
	s5 =	ssub.s32 $0x2, s4;
	s10 =	sshll.u32 s4, $0x4  }
0xa: {  	s13 =	smul.u32 $0x140000, s4;
	s15 =	sor.u32 $0x9C00, s23;
	s8 =	sshrl.u32 s5, $0x1  }
0xb: {  	s10 =	sor.u32 s11, s10;
	s12 =	sshrl.u32 s9, $0x2;
	s16 =	sadd.s32 s6, s15  }
0xc: {  	s9 =	sadd.s32 s7, s15;
	s18 =	sadd.s32 $0x4000, s14;
	s20 =	sadd.s32 $0xC000, s14  }
0xd: {  	s21 =	sadd.s32 $0x10000, s14;
	s8 =	ssub.s32 s5, s8;
	[dreg:$0x4] =	wrdreg s16  }
0xe: {  	s5 =	sadd.s32 s12, s2;
	[dreg:$0x5] =	wrdreg s9;
	s17 =	sadd.s32 s13, s14  }
0xf: {  	s12 =	sadd.s32 s13, s18;
	s16 =	sadd.s32 s13, s20;
	s24 =	sadd.s32 s13, s21  }
0x10: {  	s18 =	sadd.s32 s18, s2;
	s20 =	sadd.s32 s20, s2;
	s21 =	sadd.s32 s21, s2  }
0x11: {  	p0 =	sgt.u32 s10, $0x3;
	s8 =	smax.u32 s8, $0x1;
	s25 =	sadd.s32 $0x4000, s5  }
0x12: {  	s26 =	sadd.s32 $0x8000, s5;
	s11 =	sshrl.u32 s12, $0x3;
	[dreg:$0x6] =	wrdreg s8  }
0x13: {  	s12 =	sadd.s32 $0x8000, s14;
	s22 =	sshrl.u32 s16, $0x3;
	[dreg:$0x7] =	wrdreg s25  }
0x14: {  	s16 =	sadd.s32 $0xC000, s5;
	s8 =	sshrl.u32 s17, $0x3;
	[dreg:$0x8] =	wrdreg s26  }
0x15: {  	s15 =	sadd.s32 s13, s12;
	s14 =	sadd.s32 s0, s22;
	s25 =	sshrl.u32 s24, $0x3  }
0x16: {  	s26 =	sshll.u32 s4, $0x8;
	s17 =	sadd.s32 $0x10000, s5;
	s24 =	simm.s32 $0x200  }
0x17: {  	s8 =	sadd.s32 s0, s8;
	s19 =	sshrl.u32 s15, $0x3;
	s15 =	sadd.s32 s0, s25  }
0x18: {  	s4 =	sadd.s32 s26, s6;
	s25 =	simm.s32 $0x5;
	s6 =	simm.s32 $0x4  }
0x19: {  	[dreg:$0x9] =	wrdreg s8;
	s8 =	sadd.s32 s0, s11;
	s13 =	sadd.s32 s0, s19  }
0x1a: {  	s0 =	sadd.s32 s26, s7;
	s19 =	sadd.s32 s12, s2;
	s22 =	sadd.s32 s23, s4  }
0x1b: {  	s26 =	simm.s32 $0x80;
	s4 =	simm.s32 $0x3;
	s7 =	simm.s32 $0x0  }
0x1c: {  	v0 =	vimm.f32 $0.0e+00;
	[dreg:$0xa] =	wrdreg s8;
	s23 =	sadd.s32 s23, s0;
	s0 =	simm.s32 $0x2  }
.LBB2_1:
0x1d: {  	s8 =	simm.s32 $0x0;
	s9 =	simm.s32 $0x200  }
.LBB2_2:
0x1e: {  	p1 =	sne.s32 s9, $0xFE00;
	[tilespmem:s8+$0x270] =	vst v0  }
0x1f: {  	[tilespmem:s8+$0x200] =	vst v0  }
0x20: {  	[tilespmem:s8+$0x210] =	vst v0  }
.Ltmp0:
0x21: {  	[tilespmem:s8+$0x220] =	vst v0;
	(pc) =	sbr.rel @p1 .LBB2_2-.Ltmp0, $4  }
0x22: {  	[tilespmem:s8+$0x230] =	vst v0  }
0x23: {  	[tilespmem:s8+$0x240] =	vst v0  }
0x24: {  	[tilespmem:s8+$0x250] =	vst v0  }
0x25: {  	[tilespmem:s8+$0x260] =	vst v0;
	s8 =	sshra.s32 s9, $0x2;
	s9 =	sadd.s32 $0x200, s9  }
0x26: {  	[tilespmem:s8+$0x270] =	vst v0  }
0x27: {  	[tilespmem:s8+$0x200] =	vst v0  }
0x28: {  	[tilespmem:s8+$0x210] =	vst v0  }
0x29: {  	[tilespmem:s8+$0x220] =	vst v0  }
0x2a: {  	[tilespmem:s8+$0x230] =	vst v0  }
0x2b: {  	[tilespmem:s8+$0x240] =	vst v0  }
0x2c: {  	[tilespmem:s8+$0x250] =	vst v0  }
0x2d: {  	[tilespmem:s8+$0x260] =	vst v0  }
0x2e: {  	[spmem:s5] =	stream.linear.scatter [tilespmem:s24], [sflag:$0x5], $0x4000, $0x38;
	[tilespmem:$0x1C200] =	vst v63  }
0x2f: {  	_ =	swait.ge [sflag:s25], $0x4000  }
0x30: {  	[sflag:s25] =	ssyncset.done $0x0  }
0x31: {  	s9 =	rddreg [dreg:$0x7];
	[sflag:s25] =	ssyncadd.s32 $0xFFFFC000  }
0x32: {  	[spmem:s9] =	stream.linear.scatter [tilespmem:s24], [sflag:$0x5], $0x4000, $0x38;
	[tilespmem:$0x1C200] =	vst v63  }
0x33: {  	_ =	swait.ge [sflag:s25], $0x4000  }
0x34: {  	[sflag:s25] =	ssyncset.done $0x0  }
0x35: {  	s10 =	rddreg [dreg:$0x8];
	[sflag:s25] =	ssyncadd.s32 $0xFFFFC000  }
0x36: {  	[spmem:s10] =	stream.linear.scatter [tilespmem:s24], [sflag:$0x5], $0x4000, $0x38;
	[tilespmem:$0x1C200] =	vst v63  }
0x37: {  	_ =	swait.ge [sflag:s25], $0x4000  }
0x38: {  	[sflag:s25] =	ssyncset.done $0x0  }
0x39: {  	[sflag:s25] =	ssyncadd.s32 $0xFFFFC000  }
0x3a: {  	[spmem:s16] =	stream.linear.scatter [tilespmem:s24], [sflag:$0x5], $0x4000, $0x38;
	[tilespmem:$0x1C200] =	vst v63  }
0x3b: {  	_ =	swait.ge [sflag:s25], $0x4000  }
0x3c: {  	[sflag:s25] =	ssyncset.done $0x0  }
0x3d: {  	[sflag:s25] =	ssyncadd.s32 $0xFFFFC000  }
0x3e: {  	[spmem:s17] =	stream.linear.scatter [tilespmem:s24], [sflag:$0x5], $0x4000, $0x38;
	[tilespmem:$0x1C200] =	vst v63  }
0x3f: {  	_ =	swait.ge [sflag:s25], $0x4000  }
0x40: {  	[sflag:s25] =	ssyncset.done $0x0  }
0x41: {  	[sflag:s25] =	ssyncadd.s32 $0xFFFFC000  }
0x42: {  	s11 =	sadd.s32 $0x0, s22;
	[bflag:$0x0] =	sbarrier.arrive $0xFFFF  }
0x43: {  	[tilespmem:s3], [sflag:$0x5] =	stream.linear.gather [hbm4b:s11+s3], $0x80, $0x38;
	[tilespmem:$0x1C200] =	vst v63  }
0x44: {  	_ =	swait.ge [sflag:s25], $0x80  }
0x45: {  	[sflag:s25] =	ssyncset.done $0x0  }
0x46: {  	s9 =	sadd.s32 $0x0, s23;
	[sflag:s25] =	ssyncadd.s32 $0xFFFFFF80  }
0x47: {  	[tilespmem:s26], [sflag:$0x5] =	stream.linear.gather [hbm4b:s9+s3], $0x80, $0x38;
	[tilespmem:$0x1C200] =	vst v63  }
0x48: {  	_ =	swait.ge [sflag:s25], $0x80  }
0x49: {  	[sflag:s25] =	ssyncset.done $0x0  }
0x4a: {  	[sflag:s25] =	ssyncadd.s32 $0xFFFFFF80  }
0x4b: {  	[tilespmem:s24], [sflag:$0x1] =	stream.indirect.gather [hbm4b:s1+s26], $0x80, s3, s26, $0xb8;
	[tilespmem:$0x1C200] =	vst v63  }
0x4c: {  	_ =	swait.ge [sflag:s28], $0x4000  }
0x4d: {  	[sflag:s28] =	ssyncset.done $0x0  }
0x4e: {  	[sflag:s28] =	ssyncadd.s32 $0xFFFFC000  }
0x4f: {  	[spmem:s2] =	stream.indirect.scatter.add.f32 [tilespmem:s24], [sflag:$0x3], $0x80, s26, s26, $0xb8;
	[tilespmem:$0x1C200] =	vst v63  }
0x50: {  	s8 =	sadd.s32 $0x200, s11  }
0x51: {  	[tilespmem:s29], [sflag:$0x5] =	stream.linear.gather [hbm4b:s8+s3], $0x80, $0x38;
	[tilespmem:$0x1C200] =	vst v63  }
0x52: {  	_ =	swait.ge [sflag:s25], $0x80  }
0x53: {  	[sflag:s25] =	ssyncset.done $0x0  }
0x54: {  	s12 =	sadd.s32 $0x200, s9;
	[sflag:s25] =	ssyncadd.s32 $0xFFFFFF80  }
0x55: {  	[tilespmem:s30], [sflag:$0x5] =	stream.linear.gather [hbm4b:s12+s3], $0x80, $0x38;
	[tilespmem:$0x1C200] =	vst v63  }
0x56: {  	_ =	swait.ge [sflag:s25], $0x80  }
0x57: {  	[sflag:s25] =	ssyncset.done $0x0  }
0x58: {  	[sflag:s25] =	ssyncadd.s32 $0xFFFFFF80  }
0x59: {  	[tilespmem:s31], [sflag:$0x2] =	stream.indirect.gather [hbm4b:s1+s26], $0x80, s29, s26, $0xb8;
	[tilespmem:$0x1C200] =	vst v63  }
0x5a: {  	_ =	swait.ge [sflag:s0], $0x4000  }
0x5b: {  	[sflag:s0] =	ssyncset.done $0x0  }
0x5c: {  	[sflag:s0] =	ssyncadd.s32 $0xFFFFC000  }
0x5d: {  	_ =	swait.ge [sflag:s4], $0x4000  }
0x5e: {  	[sflag:s4] =	ssyncset.done $0x0  }
0x5f: {  	[sflag:s4] =	ssyncadd.s32 $0xFFFFC000  }
0x60: {  	[spmem:s2] =	stream.indirect.scatter.add.f32 [tilespmem:s31], [sflag:$0x4], $0x80, s30, s26, $0xb8;
	[tilespmem:$0x1C200] =	vst v63  }
0x61: {  	_ =	swait.ge [sflag:s6], $0x4000  }
0x62: {  	s9 =	simm.s32 $0x800;
	s8 =	simm.s32 $0x400;
	[sflag:s6] =	ssyncset.done $0x0  }
.LBB2_4:
0x63: {  	s11 =	sadd.s32 s8, s22  }
0x64: {  	[sflag:s6] =	ssyncadd.s32 $0xFFFFC000;
	s12 =	smov.u32 s9;
	s10 =	sadd.s32 $0x400, s9  }
0x65: {  	[tilespmem:s3], [sflag:$0x5] =	stream.linear.gather [hbm4b:s11+s3], $0x80, $0x38;
	[tilespmem:$0x1C200] =	vst v63  }
0x66: {  	p1 =	sne.s32 s9, $0x9800;
	_ =	swait.ge [sflag:s25], $0x80  }
0x67: {  	[sflag:s25] =	ssyncset.done $0x0  }
0x68: {  	s9 =	sadd.s32 s8, s23;
	s8 =	smov.u32 s12;
	[sflag:s25] =	ssyncadd.s32 $0xFFFFFF80  }
0x69: {  	[tilespmem:s26], [sflag:$0x5] =	stream.linear.gather [hbm4b:s9+s3], $0x80, $0x38;
	[tilespmem:$0x1C200] =	vst v63  }
0x6a: {  	_ =	swait.ge [sflag:s25], $0x80  }
0x6b: {  	[sflag:s25] =	ssyncset.done $0x0  }
0x6c: {  	[sflag:s25] =	ssyncadd.s32 $0xFFFFFF80  }
0x6d: {  	[tilespmem:s24], [sflag:$0x1] =	stream.indirect.gather [hbm4b:s1+s26], $0x80, s3, s26, $0xb8;
	[tilespmem:$0x1C200] =	vst v63  }
0x6e: {  	_ =	swait.ge [sflag:s28], $0x4000  }
0x6f: {  	[sflag:s28] =	ssyncset.done $0x0  }
0x70: {  	[sflag:s28] =	ssyncadd.s32 $0xFFFFC000  }
0x71: {  	[spmem:s2] =	stream.indirect.scatter.add.f32 [tilespmem:s24], [sflag:$0x3], $0x80, s26, s26, $0xb8;
	[tilespmem:$0x1C200] =	vst v63  }
0x72: {  	s11 =	sadd.s32 $0x200, s11  }
0x73: {  	[tilespmem:s29], [sflag:$0x5] =	stream.linear.gather [hbm4b:s11+s3], $0x80, $0x38;
	[tilespmem:$0x1C200] =	vst v63  }
0x74: {  	_ =	swait.ge [sflag:s25], $0x80  }
0x75: {  	[sflag:s25] =	ssyncset.done $0x0  }
0x76: {  	s9 =	sadd.s32 $0x200, s9;
	[sflag:s25] =	ssyncadd.s32 $0xFFFFFF80  }
0x77: {  	[tilespmem:s30], [sflag:$0x5] =	stream.linear.gather [hbm4b:s9+s3], $0x80, $0x38;
	[tilespmem:$0x1C200] =	vst v63  }
0x78: {  	_ =	swait.ge [sflag:s25], $0x80  }
0x79: {  	[sflag:s25] =	ssyncset.done $0x0  }
0x7a: {  	[sflag:s25] =	ssyncadd.s32 $0xFFFFFF80  }
0x7b: {  	[tilespmem:s31], [sflag:$0x2] =	stream.indirect.gather [hbm4b:s1+s26], $0x80, s29, s26, $0xb8;
	[tilespmem:$0x1C200] =	vst v63  }
0x7c: {  	_ =	swait.ge [sflag:s0], $0x4000  }
0x7d: {  	[sflag:s0] =	ssyncset.done $0x0  }
0x7e: {  	[sflag:s0] =	ssyncadd.s32 $0xFFFFC000  }
0x7f: {  	_ =	swait.ge [sflag:s4], $0x4000  }
.Ltmp1:
0x80: {  	[sflag:s4] =	ssyncset.done $0x0;
	(pc) =	sbr.rel @p1 .LBB2_4-.Ltmp1, $4  }
0x81: {  	[sflag:s4] =	ssyncadd.s32 $0xFFFFC000  }
0x82: {  	[spmem:s2] =	stream.indirect.scatter.add.f32 [tilespmem:s31], [sflag:$0x4], $0x80, s30, s26, $0xb8;
	[tilespmem:$0x1C200] =	vst v63  }
0x83: {  	_ =	swait.ge [sflag:s6], $0x4000  }
0x84: {  	s9 =	smov.u32 s10;
	[sflag:s6] =	ssyncset.done $0x0  }
0x85: {  	s9 =	sadd.s32 s8, s22;
	[sflag:s6] =	ssyncadd.s32 $0xFFFFC000  }
0x86: {  	[tilespmem:s3], [sflag:$0x5] =	stream.linear.gather [hbm4b:s9+s3], $0x80, $0x38;
	[tilespmem:$0x1C200] =	vst v63  }
0x87: {  	_ =	swait.ge [sflag:s25], $0x80  }
0x88: {  	[sflag:s25] =	ssyncset.done $0x0  }
0x89: {  	s12 =	sadd.s32 s8, s23;
	[sflag:s25] =	ssyncadd.s32 $0xFFFFFF80  }
0x8a: {  	[tilespmem:s26], [sflag:$0x5] =	stream.linear.gather [hbm4b:s12+s3], $0x80, $0x38;
	[tilespmem:$0x1C200] =	vst v63  }
0x8b: {  	_ =	swait.ge [sflag:s25], $0x80  }
0x8c: {  	[sflag:s25] =	ssyncset.done $0x0  }
0x8d: {  	[sflag:s25] =	ssyncadd.s32 $0xFFFFFF80  }
0x8e: {  	[tilespmem:s24], [sflag:$0x1] =	stream.indirect.gather [hbm4b:s1+s26], $0x80, s3, s26, $0xb8;
	[tilespmem:$0x1C200] =	vst v63  }
0x8f: {  	_ =	swait.ge [sflag:s28], $0x4000  }
0x90: {  	[sflag:s28] =	ssyncset.done $0x0  }
0x91: {  	[sflag:s28] =	ssyncadd.s32 $0xFFFFC000  }
0x92: {  	[spmem:s2] =	stream.indirect.scatter.add.f32 [tilespmem:s24], [sflag:$0x3], $0x80, s26, s26, $0xb8;
	[tilespmem:$0x1C200] =	vst v63  }
0x93: {  	s9 =	sadd.s32 $0x200, s9  }
0x94: {  	[tilespmem:s29], [sflag:$0x5] =	stream.linear.gather [hbm4b:s9+s3], $0x80, $0x38;
	[tilespmem:$0x1C200] =	vst v63  }
0x95: {  	_ =	swait.ge [sflag:s25], $0x80  }
0x96: {  	[sflag:s25] =	ssyncset.done $0x0  }
0x97: {  	s8 =	sadd.s32 $0x200, s12;
	[sflag:s25] =	ssyncadd.s32 $0xFFFFFF80  }
0x98: {  	[tilespmem:s30], [sflag:$0x5] =	stream.linear.gather [hbm4b:s8+s3], $0x80, $0x38;
	[tilespmem:$0x1C200] =	vst v63  }
0x99: {  	_ =	swait.ge [sflag:s25], $0x80  }
0x9a: {  	[sflag:s25] =	ssyncset.done $0x0  }
0x9b: {  	[sflag:s25] =	ssyncadd.s32 $0xFFFFFF80  }
0x9c: {  	[tilespmem:s31], [sflag:$0x2] =	stream.indirect.gather [hbm4b:s1+s26], $0x80, s29, s26, $0xb8;
	[tilespmem:$0x1C200] =	vst v63  }
0x9d: {  	_ =	swait.ge [sflag:s0], $0x4000  }
0x9e: {  	[sflag:s0] =	ssyncset.done $0x0  }
0x9f: {  	[sflag:s0] =	ssyncadd.s32 $0xFFFFC000  }
0xa0: {  	_ =	swait.ge [sflag:s4], $0x4000  }
0xa1: {  	[sflag:s4] =	ssyncset.done $0x0  }
0xa2: {  	[sflag:s4] =	ssyncadd.s32 $0xFFFFC000  }
0xa3: {  	[spmem:s2] =	stream.indirect.scatter.add.f32 [tilespmem:s31], [sflag:$0x4], $0x80, s30, s26, $0xb8;
	[tilespmem:$0x1C200] =	vst v63  }
0xa4: {  	_ =	swait.ge [sflag:s6], $0x4000  }
0xa5: {  	[sflag:s6] =	ssyncset.done $0x0  }
0xa6: {  	s8 =	simm.s32 @!p0 $0x0;
	s9 =	rddreg [dreg:$0x4];
	[sflag:s6] =	ssyncadd.s32 $0xFFFFC000  }
0xa7: {  	[tilespmem:s8], [sflag:$0x5] =	stream.linear.gather @!p0 [hbm4b:s9+s8], $0x80, $0x38;
	[tilespmem:$0x1C200] =	vst v63  }
0xa8: {  	s9 =	simm.s32 @!p0 $0x5  }
0xa9: {  	_ =	swait.ge @!p0 [sflag:s9], $0x80  }
0xaa: {  	[sflag:s9] =	ssyncset.done @!p0 $0x0  }
0xab: {  	s10 =	simm.s32 @!p0 $0x80;
	s11 =	rddreg [dreg:$0x5];
	[sflag:s9] =	ssyncadd.s32 @!p0 $0xFFFFFF80  }
0xac: {  	[tilespmem:s10], [sflag:$0x5] =	stream.linear.gather @!p0 [hbm4b:s11+s8], $0x80, $0x38;
	[tilespmem:$0x1C200] =	vst v63  }
0xad: {  	_ =	swait.ge @!p0 [sflag:s9], $0x80  }
0xae: {  	[sflag:s9] =	ssyncset.done @!p0 $0x0  }
0xaf: {  	s11 =	simm.s32 @!p0 $0x200;
	[sflag:s9] =	ssyncadd.s32 @!p0 $0xFFFFFF80  }
0xb0: {  	[tilespmem:s11], [sflag:$0x1] =	stream.indirect.gather @!p0 [hbm4b:s1+s10], $0x80, s8, s10, $0xb8;
	[tilespmem:$0x1C200] =	vst v63  }
0xb1: {  	s8 =	simm.s32 @!p0 $0x1  }
0xb2: {  	_ =	swait.ge @!p0 [sflag:s8], $0x4000  }
0xb3: {  	[sflag:s8] =	ssyncset.done @!p0 $0x0  }
0xb4: {  	[sflag:s8] =	ssyncadd.s32 @!p0 $0xFFFFC000  }
0xb5: {  	[spmem:s2] =	stream.indirect.scatter.add.f32 @!p0 [tilespmem:s11], [sflag:$0x5], $0x80, s10, s10, $0xb8;
	[tilespmem:$0x1C200] =	vst v63  }
0xb6: {  	_ =	swait.ge @!p0 [sflag:s9], $0x4000  }
0xb7: {  	[sflag:s9] =	ssyncset.done @!p0 $0x0  }
0xb8: {  	[sflag:s9] =	ssyncadd.s32 @!p0 $0xFFFFC000  }
0xb9: {  	[bflag:$0x0] =	sbarrier.arrive $0xFFFF  }
0xba: {  	[tilespmem:s24], [sflag:$0x5] =	stream.linear.gather [spmem:s5], $0x4000, $0x38;
	[tilespmem:$0x1C200] =	vst v63  }
0xbb: {  	_ =	swait.ge [sflag:s25], $0x4000  }
0xbc: {  	[sflag:s25] =	ssyncset.done $0x0  }
0xbd: {  	s10 =	rddreg [dreg:$0x9];
	[sflag:s25] =	ssyncadd.s32 $0xFFFFC000  }
0xbe: {  	[hbm4b:s10+s3] =	stream.linear.scatter [tilespmem:s24], [sflag:$0x5], $0x4000, $0x38;
	[tilespmem:$0x1C200] =	vst v63  }
0xbf: {  	_ =	swait.ge [sflag:s25], $0x4000  }
0xc0: {  	[sflag:s25] =	ssyncset.done $0x0  }
0xc1: {  	[sflag:s25] =	ssyncadd.s32 $0xFFFFC000  }
0xc2: {  	[tilespmem:s24], [sflag:$0x5] =	stream.linear.gather [spmem:s18], $0x4000, $0x38;
	[tilespmem:$0x1C200] =	vst v63  }
0xc3: {  	_ =	swait.ge [sflag:s25], $0x4000  }
0xc4: {  	[sflag:s25] =	ssyncset.done $0x0  }
0xc5: {  	s11 =	rddreg [dreg:$0xa];
	[sflag:s25] =	ssyncadd.s32 $0xFFFFC000  }
0xc6: {  	[hbm4b:s11+s3] =	stream.linear.scatter [tilespmem:s24], [sflag:$0x5], $0x4000, $0x38;
	[tilespmem:$0x1C200] =	vst v63  }
0xc7: {  	_ =	swait.ge [sflag:s25], $0x4000  }
0xc8: {  	[sflag:s25] =	ssyncset.done $0x0  }
0xc9: {  	[sflag:s25] =	ssyncadd.s32 $0xFFFFC000  }
0xca: {  	[tilespmem:s24], [sflag:$0x5] =	stream.linear.gather [spmem:s19], $0x4000, $0x38;
	[tilespmem:$0x1C200] =	vst v63  }
0xcb: {  	_ =	swait.ge [sflag:s25], $0x4000  }
0xcc: {  	[sflag:s25] =	ssyncset.done $0x0  }
0xcd: {  	[sflag:s25] =	ssyncadd.s32 $0xFFFFC000  }
0xce: {  	[hbm4b:s13+s3] =	stream.linear.scatter [tilespmem:s24], [sflag:$0x5], $0x4000, $0x38;
	[tilespmem:$0x1C200] =	vst v63  }
0xcf: {  	_ =	swait.ge [sflag:s25], $0x4000  }
0xd0: {  	[sflag:s25] =	ssyncset.done $0x0  }
0xd1: {  	[sflag:s25] =	ssyncadd.s32 $0xFFFFC000  }
0xd2: {  	[tilespmem:s24], [sflag:$0x5] =	stream.linear.gather [spmem:s20], $0x4000, $0x38;
	[tilespmem:$0x1C200] =	vst v63  }
0xd3: {  	_ =	swait.ge [sflag:s25], $0x4000  }
0xd4: {  	[sflag:s25] =	ssyncset.done $0x0  }
0xd5: {  	[sflag:s25] =	ssyncadd.s32 $0xFFFFC000  }
0xd6: {  	[hbm4b:s14+s3] =	stream.linear.scatter [tilespmem:s24], [sflag:$0x5], $0x4000, $0x38;
	[tilespmem:$0x1C200] =	vst v63  }
0xd7: {  	_ =	swait.ge [sflag:s25], $0x4000  }
0xd8: {  	[sflag:s25] =	ssyncset.done $0x0  }
0xd9: {  	[sflag:s25] =	ssyncadd.s32 $0xFFFFC000  }
0xda: {  	[tilespmem:s24], [sflag:$0x5] =	stream.linear.gather [spmem:s21], $0x4000, $0x38;
	[tilespmem:$0x1C200] =	vst v63  }
0xdb: {  	_ =	swait.ge [sflag:s25], $0x4000  }
0xdc: {  	[sflag:s25] =	ssyncset.done $0x0  }
0xdd: {  	[sflag:s25] =	ssyncadd.s32 $0xFFFFC000  }
0xde: {  	[hbm4b:s15+s3] =	stream.linear.scatter [tilespmem:s24], [sflag:$0x5], $0x4000, $0x38;
	[tilespmem:$0x1C200] =	vst v63  }
0xdf: {  	_ =	swait.ge [sflag:s25], $0x4000  }
0xe0: {  	s7 =	sadd.s32 $0x1, s7;
	s12 =	rddreg [dreg:$0x6]  }
0xe1: {  	p1 =	sne.s32 s7, s12  }
.Ltmp2:
0xe2: {  	_ = 	snop;
	(pc) =	sbr.rel @p1 .LBB2_1-.Ltmp2, $3  }
0xe3: {  	_ =	sdelay $0x1  }
0xe4: {  	[sflag:s25] =	ssyncset.done $0x0  }
0xe5: {  	[sflag:s25] =	ssyncadd.s32 $0xFFFFC000  }
0xe6: {  	_ =	sfence.sel $0x180000  }
0xe7: {  	[bflag:$0x0] =	sbarrier.arrive $0xFFFF  }
0xe8: {  	_ =	strace $0x9000004A  }
0xe9: {  	s0 =	stileid.u32;
	[bflag:$0x2] =	sbarrier.arrive $0xFFFF  }
0xea: {  	p0 =	sne.s32 s0, $0x0;
	s0 =	rddreg [dreg:$0x3]  }
0xeb: {  	s0 =	sadd.s32 @!p0 $0x100000, s0  }
0xec: {  	[sflag:s0] =	ssyncadd.tile.s32 @!p0 $0x1;
	_ =	shalt  }
.Lfunc_end2:
_tile_overlayer_lowered:
.L_overlay_start_2:
0xed: {  	(tag) =	ssettag $0x2  }
0xee: {  	s0 =	rddreg [dreg:$0x0];
	s2 =	stileid.u32  }
0xef: {  	s1 =	rddreg [dreg:$0x1];
	p0 =	sne.s32 s2, $0x0  }
0xf0: {  	s3 =	rddreg [dreg:$0x2];
	[bflag:$0x3] =	sbarrier.arrive $0xFFFF;
	s2 =	simm.s32 @!p0 $0x1C05  }
0xf1: {  	[timem:s3], [sflag:s2] =	dma.local @!p0 [hbm:s0], s1  }
0xf2: {  	s0 =	simm.s32 @!p0 $0x5  }
0xf3: {  	_ =	swait.ge @!p0 [sflag:s0], s1  }
0xf4: {  	s1 =	ssub.s32 @!p0 $0x0, s1;
	[sflag:s0] =	ssyncset.done @!p0 $0x0  }
0xf5: {  	[sflag:s0] =	ssyncadd.s32 @!p0 s1  }
0xf6: {  	[bflag:$0x3] =	sbarrier.arrive $0xFFFF  }
0xf7: {  	_ =	shalt  }

// kernel: kernel.14.cloned.1.call-start
scs
__scs_entry_jumppad:
0x0: {  	(pc) =	sbr.rel $0x88, $3  }
0x1: {  	(tag) =	ssettag $0x0;
	lr =	simm.s32 $0x1  }
0x2: {  	[smem:$0x3F9B] =	sst lr;
	_ =	strace $0xD0000000  }
0x3: {  	_ = 	snop  }
0x4: {  	_ = 	snop  }
0x5: {  	_ = 	snop  }
0x6: {  	_ = 	snop  }
0x7: {  	_ = 	snop  }
__scs_overlays_trampoline_lowered:
0x8: {  	[smem:$0x3FAA] =	sst s0  }
0x9: {  	[smem:$0x3FAB] =	sst s1  }
0xa: {  	[smem:$0x3FAC] =	sst s2  }
0xb: {  	[smem:$0x3FAD] =	sst s3  }
0xc: {  	[smem:$0x3FAE] =	sst s4  }
0xd: {  	[smem:$0x3FAF] =	sst s5  }
0xe: {  	[smem:$0x3FB0] =	sst s6  }
0xf: {  	[smem:$0x3FB1] =	sst s7  }
0x10: {  	[smem:$0x3FB2] =	sst s8  }
0x11: {  	[smem:$0x3FB3] =	sst s9;
	s0 =	simm.s32 @!p0 $0x0  }
0x12: {  	s1 =	sld [smem:$0x3F99];
	s0 =	simm.s32 @p0 $0x1  }
0x13: {  	[smem:$0x3FB4] =	sst s0;
	s0 =	simm.s32 @!p1 $0x0  }
0x14: {  	s2 =	sld [smem:$0x3F98];
	s0 =	simm.s32 @p1 $0x1  }
0x15: {  	[smem:$0x3FB5] =	sst s0;
	s0 =	simm.s32 @!p2 $0x0  }
0x16: {  	s3 =	sld [smem:$0x3FDB];
	s0 =	simm.s32 @p2 $0x1  }
0x17: {  	s4 =	simm.s32 $0x1BF5;
	[smem:$0x3FB7] =	sst s0  }
0x18: {  	s0 =	sld [smem:$0x3F9A];
	_ =	swait.ge [sflag:s4], $0x0  }
0x19: {  	s7 =	sld [smem:$0x3F9B]  }
0x1a: {  	s8 =	sadd.s32 $0xFFFFE003, lr  }
0x1b: {  	s9 =	sadd.s32 $0xFFFFFEF7, lr;
	s5 =	simm.s32 $0xFFFFFFFF;
	p2 =	slt.u32 s8, $0xFFFFF086  }
0x1c: {  	p1 =	slt.u32 s9, $0xF7A;
	s5 =	simm.s32 @!p2 $0x0  }
0x1d: {  	s5 =	simm.s32 @p1 $0x1;
	p0 =	seq.s32 s7, s2  }
0x1e: {  	s7 =	smul.u32 @!p0 $0xF7A, s2;
	p2 =	seq.s32 @!p0 s5, $0x0  }
0x1f: {  	s9 =	smul.u32 $0xF7A, s1;
	s8 =	simm.s32 @!p0 $0x1BF5;
	p2 =	por !p2, p0  }
0x20: {  	[sflag:s8] =	ssyncset.s32 @!p0 $0xFFFFF086;
	s6 =	sadd.s32 @!p0 s3, s7;
	s7 =	simm.s32 @!p0 $0x108  }
0x21: {  	s3 =	sadd.s32 s3, s9;
	s6 =	sadd.s32 @!p0 $0x88, s6;
	s7 =	simm.s32 @p2 $0x1082  }
0x22: {  	[simem:s7], [sflag:s8] =	dma.local @!p0 [hbm:s6], $0xF7A  }
0x23: {  	s9 =	sor.u32 $0xD0000000, s2;
	s6 =	simm.s32 $0x108;
	_ =	swait.ge @!p0 [sflag:s8], $0x0  }
0x24: {  	s3 =	sadd.s32 $0x88, s3;
	s6 =	simm.s32 @!p1 $0x1082;
	[sflag:s4] =	ssyncset.s32 $0xFFFFF086  }
0x25: {  	[simem:s6], [sflag:s4] =	dma.local [hbm:s3], $0xF7A  }
0x26: {  	[smem:$0x3F9B] =	sst s1;
	(tag) =	ssettag s2;
	_ =	strace s9  }
0x27: {  	s1 =	sld [smem:$0x3FAB]  }
0x28: {  	s2 =	sld [smem:$0x3FAC]  }
0x29: {  	s4 =	sld [smem:$0x3FAE]  }
0x2a: {  	p0 =	seq.s32 s5, $0x0;
	s5 =	sld [smem:$0x3FAF]  }
0x2b: {  	s6 =	sld [smem:$0x3FB0]  }
0x2c: {  	s7 =	sld [smem:$0x3FB1]  }
0x2d: {  	s3 =	simm.s32 $0x108;
	s8 =	sld [smem:$0x3FB2]  }
0x2e: {  	s3 =	simm.s32 @!p0 $0x1082;
	s9 =	sld [smem:$0x3FB3]  }
0x2f: {  	lr =	sadd.s32 s0, s3;
	s0 =	sld [smem:$0x3FAA]  }
0x30: {  	s3 =	sld [smem:$0x3FAD]  }
0x31: {  	[smem:$0x3FB6] =	sst s10  }
0x32: {  	s10 =	sld [smem:$0x3FB4];
	_ =	sdelay $0x3  }
0x33: {  	p0 =	seq.s32 s10, $0x1;
	s10 =	sld [smem:$0x3FB6];
	_ =	sdelay $0x3  }
0x34: {  	[smem:$0x3FB6] =	sst s10  }
0x35: {  	s10 =	sld [smem:$0x3FB5];
	_ =	sdelay $0x3  }
0x36: {  	p1 =	seq.s32 s10, $0x1;
	s10 =	sld [smem:$0x3FB6];
	_ =	sdelay $0x3  }
0x37: {  	[smem:$0x3FB6] =	sst s10  }
0x38: {  	s10 =	sld [smem:$0x3FB7]  }
0x39: {  	_ = 	snop;
	(pc) =	sbr.ind lr, $3  }
0x3a: {  	_ = 	snop  }
0x3b: {  	_ = 	snop  }
0x3c: {  	p2 =	seq.s32 s10, $0x1;
	s10 =	sld [smem:$0x3FB6]  }
0x3d: {  	_ =	shalt  }
0x3e: {  	_ =	shalt  }
0x3f: {  	_ =	shalt  }
0x40: {  	_ =	shalt  }
0x41: {  	_ =	shalt  }
0x42: {  	_ =	shalt  }
0x43: {  	_ =	shalt  }
0x44: {  	_ =	shalt  }
0x45: {  	_ =	shalt  }
0x46: {  	_ =	shalt  }
0x47: {  	_ =	shalt  }
0x48: {  	_ =	shalt  }
0x49: {  	_ =	shalt  }
0x4a: {  	_ =	shalt  }
0x4b: {  	_ =	shalt  }
0x4c: {  	_ =	shalt  }
0x4d: {  	_ =	shalt  }
0x4e: {  	_ =	shalt  }
0x4f: {  	_ =	shalt  }
0x50: {  	_ =	shalt  }
0x51: {  	_ =	shalt  }
0x52: {  	_ =	shalt  }
0x53: {  	_ =	shalt  }
0x54: {  	_ =	shalt  }
0x55: {  	_ =	shalt  }
0x56: {  	_ =	shalt  }
0x57: {  	_ =	shalt  }
0x58: {  	_ =	shalt  }
0x59: {  	_ =	shalt  }
0x5a: {  	_ =	shalt  }
0x5b: {  	_ =	shalt  }
0x5c: {  	_ =	shalt  }
0x5d: {  	_ =	shalt  }
0x5e: {  	_ =	shalt  }
0x5f: {  	_ =	shalt  }
0x60: {  	_ =	shalt  }
0x61: {  	_ =	shalt  }
0x62: {  	_ =	shalt  }
0x63: {  	_ =	shalt  }
0x64: {  	_ =	shalt  }
0x65: {  	_ =	shalt  }
0x66: {  	_ =	shalt  }
0x67: {  	_ =	shalt  }
0x68: {  	_ =	shalt  }
0x69: {  	_ =	shalt  }
0x6a: {  	_ =	shalt  }
0x6b: {  	_ =	shalt  }
0x6c: {  	_ =	shalt  }
0x6d: {  	_ =	shalt  }
0x6e: {  	_ =	shalt  }
0x6f: {  	_ =	shalt  }
0x70: {  	_ =	shalt  }
0x71: {  	_ =	shalt  }
0x72: {  	_ =	shalt  }
0x73: {  	_ =	shalt  }
0x74: {  	_ =	shalt  }
0x75: {  	_ =	shalt  }
0x76: {  	_ =	shalt  }
0x77: {  	_ =	shalt  }
0x78: {  	_ =	shalt  }
0x79: {  	_ =	shalt  }
0x7a: {  	_ =	shalt  }
0x7b: {  	_ =	shalt  }
0x7c: {  	_ =	shalt  }
0x7d: {  	_ =	shalt  }
0x7e: {  	_ =	shalt  }
0x7f: {  	_ =	shalt  }
0x80: {  	_ =	shalt  }
0x81: {  	_ =	shalt  }
0x82: {  	_ =	shalt  }
0x83: {  	_ =	shalt  }
0x84: {  	_ =	shalt  }
0x85: {  	_ =	shalt  }
0x86: {  	_ =	shalt  }
0x87: {  	_ =	shalt  }
.Lfunc_end0:
.L_simem_size_0:
called_computation.2_lowered:
.L_overlay_start_0:
0x88: {  	s2 =	sld [smem:$0x3FD9]  }
0x89: {  	s3 =	sld [smem:$0x3FFE];
	_ =	sdelay $0x1  }
0x8a: {  	s1 =	srdreg.scid  }
0x8b: {  	s0 =	sand.u32 $0x1, s1  }
0x8c: {  	s17 =	sshll.u32 s0, $0xA;
	s2 =	sadd.s32 s3, s2  }
0x8d: {  	s2 =	sadd.s32 s2, s17  }
0x8e: {  	[smem:$0x3FC2] =	sst s2  }
0x8f: {  	_ = 	snop  }
0x90: {  	s2 =	sld [smem:$0x3FD0];
	(tm) =	ssettm $0x1  }
0x91: {  	s18 =	sld [smem:$0x3FFB];
	_ =	sdelay $0x3  }
0x92: {  	_ =	strace s18  }
0x93: {  	s3 =	sld [smem:$0x3FFC];
	_ =	sdelay $0x3  }
0x94: {  	_ =	strace s3  }
0x95: {  	s3 =	sld [smem:$0x3FFD];
	_ =	sdelay $0x3  }
0x96: {  	_ =	strace s3  }
0x97: {  	_ =	strace $0x8FFFFFFF  }
0x98: {  	s19 =	sld [smem:$0x3FDB];
	_ =	sdelay $0x1  }
0x99: {  	s4 =	simm.s32 $_scs_section_size  }
0x9a: {  	s5 =	simm.s32 $_size__tile_overlayer_lowered;
	s6 =	simm.s32 $_tile_overlayer_lowered  }
0x9b: {  	s22 =	simm.s32 $0x1BFF;
	s21 =	sshll.u32 s6, $0x1;
	s3 =	sadd.s32 s4, s19  }
0x9c: {  	s7 =	simm.s32 $0x0;
	s20 =	sshll.u32 s5, $0x1;
	s5 =	sadd.s32 s21, s3  }
0x9d: {  	[timem:s7], [sflag:s22] =	dma.local [hbm:s5], s20  }
0x9e: {  	_ =	swait.ge [sflag:s22], s20  }
0x9f: {  	s4 =	ssub.s32 $0x0, s20;
	[sflag:s22] =	ssyncset.done $0x0  }
0xa0: {  	[sflag:s22] =	ssyncadd.s32 s4;
	_ =	sdelay $0x1  }
0xa1: {  	s23 =	simm.s32 $0x1B8B  }
0xa2: {  	_ =	swait.ge [sflag:s23], $0x1  }
0xa3: {  	[sflag:s23] =	ssyncset.done $0x0  }
0xa4: {  	s25 =	simm.s32 $0x1B8E;
	s24 =	sld [smem:$0x3FFE];
	[sflag:s23] =	ssyncadd.s32 $0xFFFFFFFF  }
0xa5: {  	s26 =	simm.s32 $execute0_lowered;
	[smem:$0x3FD2] =	sst s25  }
0xa6: {  	s5 =	sshll.u32 s26, $0x1;
	_ =	strace $0x8000004C;
	[dreg:$0x1] =	wrdreg $0xFFFFFFFF  }
0xa7: {  	s28 =	simm.s32 $_size_execute0_lowered;
	s3 =	sadd.s32 s3, s5;
	[dreg:$0x0] =	wrdreg $0x0  }
0xa8: {  	s5 =	sshll.u32 s28, $0x1;
	[dreg:$0x2] =	wrdreg s3  }
0xa9: {  	[dreg:$0x3] =	wrdreg s5  }
0xaa: {  	[dreg:$0x4] =	wrdreg $0xC0  }
0xab: {  	_ =	task [dreg:s7], $0x5FFFF  }
0xac: {  	[dreg:$0x1] =	wrdreg $0xFFFFFFFF  }
0xad: {  	[dreg:$0x0] =	wrdreg $0x60  }
0xae: {  	[dreg:$0x2] =	wrdreg s2  }
0xaf: {  	[dreg:$0x3] =	wrdreg s24  }
0xb0: {  	[dreg:$0x4] =	wrdreg $0x82000  }
0xb1: {  	[dreg:$0x5] =	wrdreg $0x9  }
0xb2: {  	_ =	task.clear_ibuf [dreg:s7], $0x6FFFF;
	_ =	strace $0x9000004C  }
0xb3: {  	s29 =	simm.s32 $0x9;
	_ =	strace $0x8000004E  }
0xb4: {  	_ =	swait.ge [sflag:s29], $0x1  }
0xb5: {  	[sflag:s29] =	ssyncadd.s32 $0xFFFFFFFF  }
0xb6: {  	_ =	strace $0x9000004E  }
0xb7: {  	_ =	sfence  }
0xb8: {  	s30 =	sld [smem:$0x0];
	_ =	sdelay $0x2  }
0xb9: {  	s31 =	sshll.u32 s1, $0xD;
	s1 =	sshrl.u32 s1, $0x2  }
0xba: {  	s3 =	sand.u32 $0x4000, s31;
	s1 =	sadd.s32 s1, s30  }
0xbb: {  	s0 =	sor.u32 s3, s0;
	s1 =	sshll.u32 s1, $0x11  }
0xbc: {  	s0 =	sor.u32 s1, s0  }
0xbd: {  	s0 =	sadd.s32 $0x8F2B, s0  }
0xbe: {  	[sflag:s0] =	ssyncadd.remote.s32 $0x1  }
0xbf: {  	_ =	sfence.sel $0xFFFF  }
0xc0: {  	[dreg:$0x0] =	wrdreg $0xFFFFFFFF;
	(pc) =	sbr.abs _section_cstart, $3  }
0xc1: {  	[dreg:$0x1] =	wrdreg $0xFFFFFFFF  }
0xc2: {  	_ =	task.clear_ibuf [dreg:s7], $0x2FFFF;
	_ =	strace $0x9FFFFFFF  }
0xc3: {  	(tm) =	ssettm $0x7FFFFFFF  }
tec
execute0_lowered:
.L_overlay_start_1:
0x0: {  	(tag) =	ssettag $0x1  }
0x1: {  	s1 =	rddreg [dreg:$0x0]  }
0x2: {  	s0 =	rddreg [dreg:$0x1]  }
0x3: {  	s2 =	rddreg [dreg:$0x2]  }
0x4: {  	s3 =	simm.s32 $0x0;
	s4 =	srdreg.scid;
	s11 =	stileid.u32  }
0x5: {  	s28 =	simm.s32 $0x1;
	s29 =	simm.s32 $0x100;
	s30 =	simm.s32 $0x180  }
0x6: {  	s31 =	simm.s32 $0x4200;
	[smem:$0x7FF] =	sst s3;
	s4 =	sand.u32 $0x1, s4  }
0x7: {  	s6 =	sadd.s32 $0x1A00, s0;
	s7 =	sadd.s32 $0xB800, s0;
	s9 =	smul.u32 $0x50000, s11  }
0x8: {  	s0 =	sadd.s32 $0x15600, s0;
	s23 =	sshll.u32 s11, $0x4;
	s14 =	smul.u32 $0x14000, s11  }
0x9: {  	_ =	strace $0x8000004D;
	s5 =	ssub.s32 $0x2, s4;
	s10 =	sshll.u32 s4, $0x4  }
0xa: {  	s13 =	smul.u32 $0x140000, s4;
	s15 =	sor.u32 $0x9C00, s23;
	s8 =	sshrl.u32 s5, $0x1  }
0xb: {  	s10 =	sor.u32 s11, s10;
	s12 =	sshrl.u32 s9, $0x2;
	s16 =	sadd.s32 s6, s15  }
0xc: {  	s9 =	sadd.s32 s7, s15;
	s18 =	sadd.s32 $0x4000, s14;
	s20 =	sadd.s32 $0xC000, s14  }
0xd: {  	s21 =	sadd.s32 $0x10000, s14;
	s8 =	ssub.s32 s5, s8;
	[dreg:$0x4] =	wrdreg s16  }
0xe: {  	s5 =	sadd.s32 s12, s2;
	[dreg:$0x5] =	wrdreg s9;
	s17 =	sadd.s32 s13, s14  }
0xf: {  	s12 =	sadd.s32 s13, s18;
	s16 =	sadd.s32 s13, s20;
	s24 =	sadd.s32 s13, s21  }
0x10: {  	s18 =	sadd.s32 s18, s2;
	s20 =	sadd.s32 s20, s2;
	s21 =	sadd.s32 s21, s2  }
0x11: {  	p0 =	sgt.u32 s10, $0x3;
	s8 =	smax.u32 s8, $0x1;
	s25 =	sadd.s32 $0x4000, s5  }
0x12: {  	s26 =	sadd.s32 $0x8000, s5;
	s11 =	sshrl.u32 s12, $0x3;
	[dreg:$0x6] =	wrdreg s8  }
0x13: {  	s12 =	sadd.s32 $0x8000, s14;
	s22 =	sshrl.u32 s16, $0x3;
	[dreg:$0x7] =	wrdreg s25  }
0x14: {  	s16 =	sadd.s32 $0xC000, s5;
	s8 =	sshrl.u32 s17, $0x3;
	[dreg:$0x8] =	wrdreg s26  }
0x15: {  	s15 =	sadd.s32 s13, s12;
	s14 =	sadd.s32 s0, s22;
	s25 =	sshrl.u32 s24, $0x3  }
0x16: {  	s26 =	sshll.u32 s4, $0x8;
	s17 =	sadd.s32 $0x10000, s5;
	s24 =	simm.s32 $0x200  }
0x17: {  	s8 =	sadd.s32 s0, s8;
	s19 =	sshrl.u32 s15, $0x3;
	s15 =	sadd.s32 s0, s25  }
0x18: {  	s4 =	sadd.s32 s26, s6;
	s25 =	simm.s32 $0x5;
	s6 =	simm.s32 $0x4  }
0x19: {  	[dreg:$0x9] =	wrdreg s8;
	s8 =	sadd.s32 s0, s11;
	s13 =	sadd.s32 s0, s19  }
0x1a: {  	s0 =	sadd.s32 s26, s7;
	s19 =	sadd.s32 s12, s2;
	s22 =	sadd.s32 s23, s4  }
0x1b: {  	s26 =	simm.s32 $0x80;
	s4 =	simm.s32 $0x3;
	s7 =	simm.s32 $0x0  }
0x1c: {  	v0 =	vimm.f32 $0.0e+00;
	[dreg:$0xa] =	wrdreg s8;
	s23 =	sadd.s32 s23, s0;
	s0 =	simm.s32 $0x2  }
.LBB2_1:
0x1d: {  	s8 =	simm.s32 $0x0;
	s9 =	simm.s32 $0x200  }
.LBB2_2:
0x1e: {  	p1 =	sne.s32 s9, $0xFE00;
	[tilespmem:s8+$0x270] =	vst v0  }
0x1f: {  	[tilespmem:s8+$0x200] =	vst v0  }
0x20: {  	[tilespmem:s8+$0x210] =	vst v0  }
.Ltmp0:
0x21: {  	[tilespmem:s8+$0x220] =	vst v0;
	(pc) =	sbr.rel @p1 .LBB2_2-.Ltmp0, $4  }
0x22: {  	[tilespmem:s8+$0x230] =	vst v0  }
0x23: {  	[tilespmem:s8+$0x240] =	vst v0  }
0x24: {  	[tilespmem:s8+$0x250] =	vst v0  }
0x25: {  	[tilespmem:s8+$0x260] =	vst v0;
	s8 =	sshra.s32 s9, $0x2;
	s9 =	sadd.s32 $0x200, s9  }
0x26: {  	[tilespmem:s8+$0x270] =	vst v0  }
0x27: {  	[tilespmem:s8+$0x200] =	vst v0  }
0x28: {  	[tilespmem:s8+$0x210] =	vst v0  }
0x29: {  	[tilespmem:s8+$0x220] =	vst v0  }
0x2a: {  	[tilespmem:s8+$0x230] =	vst v0  }
0x2b: {  	[tilespmem:s8+$0x240] =	vst v0  }
0x2c: {  	[tilespmem:s8+$0x250] =	vst v0  }
0x2d: {  	[tilespmem:s8+$0x260] =	vst v0  }
0x2e: {  	[spmem:s5] =	stream.linear.scatter [tilespmem:s24], [sflag:$0x5], $0x4000, $0x38;
	[tilespmem:$0x1C200] =	vst v63  }
0x2f: {  	_ =	swait.ge [sflag:s25], $0x4000  }
0x30: {  	[sflag:s25] =	ssyncset.done $0x0  }
0x31: {  	s9 =	rddreg [dreg:$0x7];
	[sflag:s25] =	ssyncadd.s32 $0xFFFFC000  }
0x32: {  	[spmem:s9] =	stream.linear.scatter [tilespmem:s24], [sflag:$0x5], $0x4000, $0x38;
	[tilespmem:$0x1C200] =	vst v63  }
0x33: {  	_ =	swait.ge [sflag:s25], $0x4000  }
0x34: {  	[sflag:s25] =	ssyncset.done $0x0  }
0x35: {  	s10 =	rddreg [dreg:$0x8];
	[sflag:s25] =	ssyncadd.s32 $0xFFFFC000  }
0x36: {  	[spmem:s10] =	stream.linear.scatter [tilespmem:s24], [sflag:$0x5], $0x4000, $0x38;
	[tilespmem:$0x1C200] =	vst v63  }
0x37: {  	_ =	swait.ge [sflag:s25], $0x4000  }
0x38: {  	[sflag:s25] =	ssyncset.done $0x0  }
0x39: {  	[sflag:s25] =	ssyncadd.s32 $0xFFFFC000  }
0x3a: {  	[spmem:s16] =	stream.linear.scatter [tilespmem:s24], [sflag:$0x5], $0x4000, $0x38;
	[tilespmem:$0x1C200] =	vst v63  }
0x3b: {  	_ =	swait.ge [sflag:s25], $0x4000  }
0x3c: {  	[sflag:s25] =	ssyncset.done $0x0  }
0x3d: {  	[sflag:s25] =	ssyncadd.s32 $0xFFFFC000  }
0x3e: {  	[spmem:s17] =	stream.linear.scatter [tilespmem:s24], [sflag:$0x5], $0x4000, $0x38;
	[tilespmem:$0x1C200] =	vst v63  }
0x3f: {  	_ =	swait.ge [sflag:s25], $0x4000  }
0x40: {  	[sflag:s25] =	ssyncset.done $0x0  }
0x41: {  	[sflag:s25] =	ssyncadd.s32 $0xFFFFC000  }
0x42: {  	s11 =	sadd.s32 $0x0, s22;
	[bflag:$0x0] =	sbarrier.arrive $0xFFFF  }
0x43: {  	[tilespmem:s3], [sflag:$0x5] =	stream.linear.gather [hbm4b:s11+s3], $0x80, $0x38;
	[tilespmem:$0x1C200] =	vst v63  }
0x44: {  	_ =	swait.ge [sflag:s25], $0x80  }
0x45: {  	[sflag:s25] =	ssyncset.done $0x0  }
0x46: {  	s9 =	sadd.s32 $0x0, s23;
	[sflag:s25] =	ssyncadd.s32 $0xFFFFFF80  }
0x47: {  	[tilespmem:s26], [sflag:$0x5] =	stream.linear.gather [hbm4b:s9+s3], $0x80, $0x38;
	[tilespmem:$0x1C200] =	vst v63  }
0x48: {  	_ =	swait.ge [sflag:s25], $0x80  }
0x49: {  	[sflag:s25] =	ssyncset.done $0x0  }
0x4a: {  	[sflag:s25] =	ssyncadd.s32 $0xFFFFFF80  }
0x4b: {  	[tilespmem:s24], [sflag:$0x1] =	stream.indirect.gather [hbm4b:s1+s26], $0x80, s3, s26, $0xb8;
	[tilespmem:$0x1C200] =	vst v63  }
0x4c: {  	_ =	swait.ge [sflag:s28], $0x4000  }
0x4d: {  	[sflag:s28] =	ssyncset.done $0x0  }
0x4e: {  	[sflag:s28] =	ssyncadd.s32 $0xFFFFC000  }
0x4f: {  	[spmem:s2] =	stream.indirect.scatter.add.f32 [tilespmem:s24], [sflag:$0x3], $0x80, s26, s26, $0xb8;
	[tilespmem:$0x1C200] =	vst v63  }
0x50: {  	s8 =	sadd.s32 $0x200, s11  }
0x51: {  	[tilespmem:s29], [sflag:$0x5] =	stream.linear.gather [hbm4b:s8+s3], $0x80, $0x38;
	[tilespmem:$0x1C200] =	vst v63  }
0x52: {  	_ =	swait.ge [sflag:s25], $0x80  }
0x53: {  	[sflag:s25] =	ssyncset.done $0x0  }
0x54: {  	s12 =	sadd.s32 $0x200, s9;
	[sflag:s25] =	ssyncadd.s32 $0xFFFFFF80  }
0x55: {  	[tilespmem:s30], [sflag:$0x5] =	stream.linear.gather [hbm4b:s12+s3], $0x80, $0x38;
	[tilespmem:$0x1C200] =	vst v63  }
0x56: {  	_ =	swait.ge [sflag:s25], $0x80  }
0x57: {  	[sflag:s25] =	ssyncset.done $0x0  }
0x58: {  	[sflag:s25] =	ssyncadd.s32 $0xFFFFFF80  }
0x59: {  	[tilespmem:s31], [sflag:$0x2] =	stream.indirect.gather [hbm4b:s1+s26], $0x80, s29, s26, $0xb8;
	[tilespmem:$0x1C200] =	vst v63  }
0x5a: {  	_ =	swait.ge [sflag:s0], $0x4000  }
0x5b: {  	[sflag:s0] =	ssyncset.done $0x0  }
0x5c: {  	[sflag:s0] =	ssyncadd.s32 $0xFFFFC000  }
0x5d: {  	_ =	swait.ge [sflag:s4], $0x4000  }
0x5e: {  	[sflag:s4] =	ssyncset.done $0x0  }
0x5f: {  	[sflag:s4] =	ssyncadd.s32 $0xFFFFC000  }
0x60: {  	[spmem:s2] =	stream.indirect.scatter.add.f32 [tilespmem:s31], [sflag:$0x4], $0x80, s30, s26, $0xb8;
	[tilespmem:$0x1C200] =	vst v63  }
0x61: {  	_ =	swait.ge [sflag:s6], $0x4000  }
0x62: {  	s9 =	simm.s32 $0x800;
	s8 =	simm.s32 $0x400;
	[sflag:s6] =	ssyncset.done $0x0  }
.LBB2_4:
0x63: {  	s11 =	sadd.s32 s8, s22  }
0x64: {  	[sflag:s6] =	ssyncadd.s32 $0xFFFFC000;
	s12 =	smov.u32 s9;
	s10 =	sadd.s32 $0x400, s9  }
0x65: {  	[tilespmem:s3], [sflag:$0x5] =	stream.linear.gather [hbm4b:s11+s3], $0x80, $0x38;
	[tilespmem:$0x1C200] =	vst v63  }
0x66: {  	p1 =	sne.s32 s9, $0x9800;
	_ =	swait.ge [sflag:s25], $0x80  }
0x67: {  	[sflag:s25] =	ssyncset.done $0x0  }
0x68: {  	s9 =	sadd.s32 s8, s23;
	s8 =	smov.u32 s12;
	[sflag:s25] =	ssyncadd.s32 $0xFFFFFF80  }
0x69: {  	[tilespmem:s26], [sflag:$0x5] =	stream.linear.gather [hbm4b:s9+s3], $0x80, $0x38;
	[tilespmem:$0x1C200] =	vst v63  }
0x6a: {  	_ =	swait.ge [sflag:s25], $0x80  }
0x6b: {  	[sflag:s25] =	ssyncset.done $0x0  }
0x6c: {  	[sflag:s25] =	ssyncadd.s32 $0xFFFFFF80  }
0x6d: {  	[tilespmem:s24], [sflag:$0x1] =	stream.indirect.gather [hbm4b:s1+s26], $0x80, s3, s26, $0xb8;
	[tilespmem:$0x1C200] =	vst v63  }
0x6e: {  	_ =	swait.ge [sflag:s28], $0x4000  }
0x6f: {  	[sflag:s28] =	ssyncset.done $0x0  }
0x70: {  	[sflag:s28] =	ssyncadd.s32 $0xFFFFC000  }
0x71: {  	[spmem:s2] =	stream.indirect.scatter.add.f32 [tilespmem:s24], [sflag:$0x3], $0x80, s26, s26, $0xb8;
	[tilespmem:$0x1C200] =	vst v63  }
0x72: {  	s11 =	sadd.s32 $0x200, s11  }
0x73: {  	[tilespmem:s29], [sflag:$0x5] =	stream.linear.gather [hbm4b:s11+s3], $0x80, $0x38;
	[tilespmem:$0x1C200] =	vst v63  }
0x74: {  	_ =	swait.ge [sflag:s25], $0x80  }
0x75: {  	[sflag:s25] =	ssyncset.done $0x0  }
0x76: {  	s9 =	sadd.s32 $0x200, s9;
	[sflag:s25] =	ssyncadd.s32 $0xFFFFFF80  }
0x77: {  	[tilespmem:s30], [sflag:$0x5] =	stream.linear.gather [hbm4b:s9+s3], $0x80, $0x38;
	[tilespmem:$0x1C200] =	vst v63  }
0x78: {  	_ =	swait.ge [sflag:s25], $0x80  }
0x79: {  	[sflag:s25] =	ssyncset.done $0x0  }
0x7a: {  	[sflag:s25] =	ssyncadd.s32 $0xFFFFFF80  }
0x7b: {  	[tilespmem:s31], [sflag:$0x2] =	stream.indirect.gather [hbm4b:s1+s26], $0x80, s29, s26, $0xb8;
	[tilespmem:$0x1C200] =	vst v63  }
0x7c: {  	_ =	swait.ge [sflag:s0], $0x4000  }
0x7d: {  	[sflag:s0] =	ssyncset.done $0x0  }
0x7e: {  	[sflag:s0] =	ssyncadd.s32 $0xFFFFC000  }
0x7f: {  	_ =	swait.ge [sflag:s4], $0x4000  }
.Ltmp1:
0x80: {  	[sflag:s4] =	ssyncset.done $0x0;
	(pc) =	sbr.rel @p1 .LBB2_4-.Ltmp1, $4  }
0x81: {  	[sflag:s4] =	ssyncadd.s32 $0xFFFFC000  }
0x82: {  	[spmem:s2] =	stream.indirect.scatter.add.f32 [tilespmem:s31], [sflag:$0x4], $0x80, s30, s26, $0xb8;
	[tilespmem:$0x1C200] =	vst v63  }
0x83: {  	_ =	swait.ge [sflag:s6], $0x4000  }
0x84: {  	s9 =	smov.u32 s10;
	[sflag:s6] =	ssyncset.done $0x0  }
0x85: {  	s9 =	sadd.s32 s8, s22;
	[sflag:s6] =	ssyncadd.s32 $0xFFFFC000  }
0x86: {  	[tilespmem:s3], [sflag:$0x5] =	stream.linear.gather [hbm4b:s9+s3], $0x80, $0x38;
	[tilespmem:$0x1C200] =	vst v63  }
0x87: {  	_ =	swait.ge [sflag:s25], $0x80  }
0x88: {  	[sflag:s25] =	ssyncset.done $0x0  }
0x89: {  	s12 =	sadd.s32 s8, s23;
	[sflag:s25] =	ssyncadd.s32 $0xFFFFFF80  }
0x8a: {  	[tilespmem:s26], [sflag:$0x5] =	stream.linear.gather [hbm4b:s12+s3], $0x80, $0x38;
	[tilespmem:$0x1C200] =	vst v63  }
0x8b: {  	_ =	swait.ge [sflag:s25], $0x80  }
0x8c: {  	[sflag:s25] =	ssyncset.done $0x0  }
0x8d: {  	[sflag:s25] =	ssyncadd.s32 $0xFFFFFF80  }
0x8e: {  	[tilespmem:s24], [sflag:$0x1] =	stream.indirect.gather [hbm4b:s1+s26], $0x80, s3, s26, $0xb8;
	[tilespmem:$0x1C200] =	vst v63  }
0x8f: {  	_ =	swait.ge [sflag:s28], $0x4000  }
0x90: {  	[sflag:s28] =	ssyncset.done $0x0  }
0x91: {  	[sflag:s28] =	ssyncadd.s32 $0xFFFFC000  }
0x92: {  	[spmem:s2] =	stream.indirect.scatter.add.f32 [tilespmem:s24], [sflag:$0x3], $0x80, s26, s26, $0xb8;
	[tilespmem:$0x1C200] =	vst v63  }
0x93: {  	s9 =	sadd.s32 $0x200, s9  }
0x94: {  	[tilespmem:s29], [sflag:$0x5] =	stream.linear.gather [hbm4b:s9+s3], $0x80, $0x38;
	[tilespmem:$0x1C200] =	vst v63  }
0x95: {  	_ =	swait.ge [sflag:s25], $0x80  }
0x96: {  	[sflag:s25] =	ssyncset.done $0x0  }
0x97: {  	s8 =	sadd.s32 $0x200, s12;
	[sflag:s25] =	ssyncadd.s32 $0xFFFFFF80  }
0x98: {  	[tilespmem:s30], [sflag:$0x5] =	stream.linear.gather [hbm4b:s8+s3], $0x80, $0x38;
	[tilespmem:$0x1C200] =	vst v63  }
0x99: {  	_ =	swait.ge [sflag:s25], $0x80  }
0x9a: {  	[sflag:s25] =	ssyncset.done $0x0  }
0x9b: {  	[sflag:s25] =	ssyncadd.s32 $0xFFFFFF80  }
0x9c: {  	[tilespmem:s31], [sflag:$0x2] =	stream.indirect.gather [hbm4b:s1+s26], $0x80, s29, s26, $0xb8;
	[tilespmem:$0x1C200] =	vst v63  }
0x9d: {  	_ =	swait.ge [sflag:s0], $0x4000  }
0x9e: {  	[sflag:s0] =	ssyncset.done $0x0  }
0x9f: {  	[sflag:s0] =	ssyncadd.s32 $0xFFFFC000  }
0xa0: {  	_ =	swait.ge [sflag:s4], $0x4000  }
0xa1: {  	[sflag:s4] =	ssyncset.done $0x0  }
0xa2: {  	[sflag:s4] =	ssyncadd.s32 $0xFFFFC000  }
0xa3: {  	[spmem:s2] =	stream.indirect.scatter.add.f32 [tilespmem:s31], [sflag:$0x4], $0x80, s30, s26, $0xb8;
	[tilespmem:$0x1C200] =	vst v63  }
0xa4: {  	_ =	swait.ge [sflag:s6], $0x4000  }
0xa5: {  	[sflag:s6] =	ssyncset.done $0x0  }
0xa6: {  	s8 =	simm.s32 @!p0 $0x0;
	s9 =	rddreg [dreg:$0x4];
	[sflag:s6] =	ssyncadd.s32 $0xFFFFC000  }
0xa7: {  	[tilespmem:s8], [sflag:$0x5] =	stream.linear.gather @!p0 [hbm4b:s9+s8], $0x80, $0x38;
	[tilespmem:$0x1C200] =	vst v63  }
0xa8: {  	s9 =	simm.s32 @!p0 $0x5  }
0xa9: {  	_ =	swait.ge @!p0 [sflag:s9], $0x80  }
0xaa: {  	[sflag:s9] =	ssyncset.done @!p0 $0x0  }
0xab: {  	s10 =	simm.s32 @!p0 $0x80;
	s11 =	rddreg [dreg:$0x5];
	[sflag:s9] =	ssyncadd.s32 @!p0 $0xFFFFFF80  }
0xac: {  	[tilespmem:s10], [sflag:$0x5] =	stream.linear.gather @!p0 [hbm4b:s11+s8], $0x80, $0x38;
	[tilespmem:$0x1C200] =	vst v63  }
0xad: {  	_ =	swait.ge @!p0 [sflag:s9], $0x80  }
0xae: {  	[sflag:s9] =	ssyncset.done @!p0 $0x0  }
0xaf: {  	s11 =	simm.s32 @!p0 $0x200;
	[sflag:s9] =	ssyncadd.s32 @!p0 $0xFFFFFF80  }
0xb0: {  	[tilespmem:s11], [sflag:$0x1] =	stream.indirect.gather @!p0 [hbm4b:s1+s10], $0x80, s8, s10, $0xb8;
	[tilespmem:$0x1C200] =	vst v63  }
0xb1: {  	s8 =	simm.s32 @!p0 $0x1  }
0xb2: {  	_ =	swait.ge @!p0 [sflag:s8], $0x4000  }
0xb3: {  	[sflag:s8] =	ssyncset.done @!p0 $0x0  }
0xb4: {  	[sflag:s8] =	ssyncadd.s32 @!p0 $0xFFFFC000  }
0xb5: {  	[spmem:s2] =	stream.indirect.scatter.add.f32 @!p0 [tilespmem:s11], [sflag:$0x5], $0x80, s10, s10, $0xb8;
	[tilespmem:$0x1C200] =	vst v63  }
0xb6: {  	_ =	swait.ge @!p0 [sflag:s9], $0x4000  }
0xb7: {  	[sflag:s9] =	ssyncset.done @!p0 $0x0  }
0xb8: {  	[sflag:s9] =	ssyncadd.s32 @!p0 $0xFFFFC000  }
0xb9: {  	[bflag:$0x0] =	sbarrier.arrive $0xFFFF  }
0xba: {  	[tilespmem:s24], [sflag:$0x5] =	stream.linear.gather [spmem:s5], $0x4000, $0x38;
	[tilespmem:$0x1C200] =	vst v63  }
0xbb: {  	_ =	swait.ge [sflag:s25], $0x4000  }
0xbc: {  	[sflag:s25] =	ssyncset.done $0x0  }
0xbd: {  	s10 =	rddreg [dreg:$0x9];
	[sflag:s25] =	ssyncadd.s32 $0xFFFFC000  }
0xbe: {  	[hbm4b:s10+s3] =	stream.linear.scatter [tilespmem:s24], [sflag:$0x5], $0x4000, $0x38;
	[tilespmem:$0x1C200] =	vst v63  }
0xbf: {  	_ =	swait.ge [sflag:s25], $0x4000  }
0xc0: {  	[sflag:s25] =	ssyncset.done $0x0  }
0xc1: {  	[sflag:s25] =	ssyncadd.s32 $0xFFFFC000  }
0xc2: {  	[tilespmem:s24], [sflag:$0x5] =	stream.linear.gather [spmem:s18], $0x4000, $0x38;
	[tilespmem:$0x1C200] =	vst v63  }
0xc3: {  	_ =	swait.ge [sflag:s25], $0x4000  }
0xc4: {  	[sflag:s25] =	ssyncset.done $0x0  }
0xc5: {  	s11 =	rddreg [dreg:$0xa];
	[sflag:s25] =	ssyncadd.s32 $0xFFFFC000  }
0xc6: {  	[hbm4b:s11+s3] =	stream.linear.scatter [tilespmem:s24], [sflag:$0x5], $0x4000, $0x38;
	[tilespmem:$0x1C200] =	vst v63  }
0xc7: {  	_ =	swait.ge [sflag:s25], $0x4000  }
0xc8: {  	[sflag:s25] =	ssyncset.done $0x0  }
0xc9: {  	[sflag:s25] =	ssyncadd.s32 $0xFFFFC000  }
0xca: {  	[tilespmem:s24], [sflag:$0x5] =	stream.linear.gather [spmem:s19], $0x4000, $0x38;
	[tilespmem:$0x1C200] =	vst v63  }
0xcb: {  	_ =	swait.ge [sflag:s25], $0x4000  }
0xcc: {  	[sflag:s25] =	ssyncset.done $0x0  }
0xcd: {  	[sflag:s25] =	ssyncadd.s32 $0xFFFFC000  }
0xce: {  	[hbm4b:s13+s3] =	stream.linear.scatter [tilespmem:s24], [sflag:$0x5], $0x4000, $0x38;
	[tilespmem:$0x1C200] =	vst v63  }
0xcf: {  	_ =	swait.ge [sflag:s25], $0x4000  }
0xd0: {  	[sflag:s25] =	ssyncset.done $0x0  }
0xd1: {  	[sflag:s25] =	ssyncadd.s32 $0xFFFFC000  }
0xd2: {  	[tilespmem:s24], [sflag:$0x5] =	stream.linear.gather [spmem:s20], $0x4000, $0x38;
	[tilespmem:$0x1C200] =	vst v63  }
0xd3: {  	_ =	swait.ge [sflag:s25], $0x4000  }
0xd4: {  	[sflag:s25] =	ssyncset.done $0x0  }
0xd5: {  	[sflag:s25] =	ssyncadd.s32 $0xFFFFC000  }
0xd6: {  	[hbm4b:s14+s3] =	stream.linear.scatter [tilespmem:s24], [sflag:$0x5], $0x4000, $0x38;
	[tilespmem:$0x1C200] =	vst v63  }
0xd7: {  	_ =	swait.ge [sflag:s25], $0x4000  }
0xd8: {  	[sflag:s25] =	ssyncset.done $0x0  }
0xd9: {  	[sflag:s25] =	ssyncadd.s32 $0xFFFFC000  }
0xda: {  	[tilespmem:s24], [sflag:$0x5] =	stream.linear.gather [spmem:s21], $0x4000, $0x38;
	[tilespmem:$0x1C200] =	vst v63  }
0xdb: {  	_ =	swait.ge [sflag:s25], $0x4000  }
0xdc: {  	[sflag:s25] =	ssyncset.done $0x0  }
0xdd: {  	[sflag:s25] =	ssyncadd.s32 $0xFFFFC000  }
0xde: {  	[hbm4b:s15+s3] =	stream.linear.scatter [tilespmem:s24], [sflag:$0x5], $0x4000, $0x38;
	[tilespmem:$0x1C200] =	vst v63  }
0xdf: {  	_ =	swait.ge [sflag:s25], $0x4000  }
0xe0: {  	s7 =	sadd.s32 $0x1, s7;
	s12 =	rddreg [dreg:$0x6]  }
0xe1: {  	p1 =	sne.s32 s7, s12  }
.Ltmp2:
0xe2: {  	_ = 	snop;
	(pc) =	sbr.rel @p1 .LBB2_1-.Ltmp2, $3  }
0xe3: {  	_ =	sdelay $0x1  }
0xe4: {  	[sflag:s25] =	ssyncset.done $0x0  }
0xe5: {  	[sflag:s25] =	ssyncadd.s32 $0xFFFFC000  }
0xe6: {  	_ =	sfence.sel $0x180000  }
0xe7: {  	[bflag:$0x0] =	sbarrier.arrive $0xFFFF  }
0xe8: {  	_ =	strace $0x9000004D  }
0xe9: {  	s0 =	stileid.u32;
	[bflag:$0x2] =	sbarrier.arrive $0xFFFF  }
0xea: {  	p0 =	sne.s32 s0, $0x0;
	s0 =	rddreg [dreg:$0x3]  }
0xeb: {  	s0 =	sadd.s32 @!p0 $0x100000, s0  }
0xec: {  	[sflag:s0] =	ssyncadd.tile.s32 @!p0 $0x1;
	_ =	shalt  }
.Lfunc_end2:
_tile_overlayer_lowered:
.L_overlay_start_2:
0xed: {  	(tag) =	ssettag $0x2  }
0xee: {  	s0 =	rddreg [dreg:$0x0];
	s2 =	stileid.u32  }
0xef: {  	s1 =	rddreg [dreg:$0x1];
	p0 =	sne.s32 s2, $0x0  }
0xf0: {  	s3 =	rddreg [dreg:$0x2];
	[bflag:$0x3] =	sbarrier.arrive $0xFFFF;
	s2 =	simm.s32 @!p0 $0x1C05  }
0xf1: {  	[timem:s3], [sflag:s2] =	dma.local @!p0 [hbm:s0], s1  }
0xf2: {  	s0 =	simm.s32 @!p0 $0x5  }
0xf3: {  	_ =	swait.ge @!p0 [sflag:s0], s1  }
0xf4: {  	s1 =	ssub.s32 @!p0 $0x0, s1;
	[sflag:s0] =	ssyncset.done @!p0 $0x0  }
0xf5: {  	[sflag:s0] =	ssyncadd.s32 @!p0 s1  }
0xf6: {  	[bflag:$0x3] =	sbarrier.arrive $0xFFFF  }
0xf7: {  	_ =	shalt  }

// kernel: kernel.8.cloned.1.call-start
scs
__scs_entry_jumppad:
0x0: {  	(pc) =	sbr.rel $0x88, $3  }
0x1: {  	(tag) =	ssettag $0x0;
	lr =	simm.s32 $0x1  }
0x2: {  	[smem:$0x3F9B] =	sst lr;
	_ =	strace $0xD0000000  }
0x3: {  	_ = 	snop  }
0x4: {  	_ = 	snop  }
0x5: {  	_ = 	snop  }
0x6: {  	_ = 	snop  }
0x7: {  	_ = 	snop  }
__scs_overlays_trampoline_lowered:
0x8: {  	[smem:$0x3FAA] =	sst s0  }
0x9: {  	[smem:$0x3FAB] =	sst s1  }
0xa: {  	[smem:$0x3FAC] =	sst s2  }
0xb: {  	[smem:$0x3FAD] =	sst s3  }
0xc: {  	[smem:$0x3FAE] =	sst s4  }
0xd: {  	[smem:$0x3FAF] =	sst s5  }
0xe: {  	[smem:$0x3FB0] =	sst s6  }
0xf: {  	[smem:$0x3FB1] =	sst s7  }
0x10: {  	[smem:$0x3FB2] =	sst s8  }
0x11: {  	[smem:$0x3FB3] =	sst s9;
	s0 =	simm.s32 @!p0 $0x0  }
0x12: {  	s1 =	sld [smem:$0x3F99];
	s0 =	simm.s32 @p0 $0x1  }
0x13: {  	[smem:$0x3FB4] =	sst s0;
	s0 =	simm.s32 @!p1 $0x0  }
0x14: {  	s2 =	sld [smem:$0x3F98];
	s0 =	simm.s32 @p1 $0x1  }
0x15: {  	[smem:$0x3FB5] =	sst s0;
	s0 =	simm.s32 @!p2 $0x0  }
0x16: {  	s3 =	sld [smem:$0x3FDB];
	s0 =	simm.s32 @p2 $0x1  }
0x17: {  	s4 =	simm.s32 $0x1BF5;
	[smem:$0x3FB7] =	sst s0  }
0x18: {  	s0 =	sld [smem:$0x3F9A];
	_ =	swait.ge [sflag:s4], $0x0  }
0x19: {  	s7 =	sld [smem:$0x3F9B]  }
0x1a: {  	s8 =	sadd.s32 $0xFFFFE003, lr  }
0x1b: {  	s9 =	sadd.s32 $0xFFFFFEF7, lr;
	s5 =	simm.s32 $0xFFFFFFFF;
	p2 =	slt.u32 s8, $0xFFFFF086  }
0x1c: {  	p1 =	slt.u32 s9, $0xF7A;
	s5 =	simm.s32 @!p2 $0x0  }
0x1d: {  	s5 =	simm.s32 @p1 $0x1;
	p0 =	seq.s32 s7, s2  }
0x1e: {  	s7 =	smul.u32 @!p0 $0xF7A, s2;
	p2 =	seq.s32 @!p0 s5, $0x0  }
0x1f: {  	s9 =	smul.u32 $0xF7A, s1;
	s8 =	simm.s32 @!p0 $0x1BF5;
	p2 =	por !p2, p0  }
0x20: {  	[sflag:s8] =	ssyncset.s32 @!p0 $0xFFFFF086;
	s6 =	sadd.s32 @!p0 s3, s7;
	s7 =	simm.s32 @!p0 $0x108  }
0x21: {  	s3 =	sadd.s32 s3, s9;
	s6 =	sadd.s32 @!p0 $0x88, s6;
	s7 =	simm.s32 @p2 $0x1082  }
0x22: {  	[simem:s7], [sflag:s8] =	dma.local @!p0 [hbm:s6], $0xF7A  }
0x23: {  	s9 =	sor.u32 $0xD0000000, s2;
	s6 =	simm.s32 $0x108;
	_ =	swait.ge @!p0 [sflag:s8], $0x0  }
0x24: {  	s3 =	sadd.s32 $0x88, s3;
	s6 =	simm.s32 @!p1 $0x1082;
	[sflag:s4] =	ssyncset.s32 $0xFFFFF086  }
0x25: {  	[simem:s6], [sflag:s4] =	dma.local [hbm:s3], $0xF7A  }
0x26: {  	[smem:$0x3F9B] =	sst s1;
	(tag) =	ssettag s2;
	_ =	strace s9  }
0x27: {  	s1 =	sld [smem:$0x3FAB]  }
0x28: {  	s2 =	sld [smem:$0x3FAC]  }
0x29: {  	s4 =	sld [smem:$0x3FAE]  }
0x2a: {  	p0 =	seq.s32 s5, $0x0;
	s5 =	sld [smem:$0x3FAF]  }
0x2b: {  	s6 =	sld [smem:$0x3FB0]  }
0x2c: {  	s7 =	sld [smem:$0x3FB1]  }
0x2d: {  	s3 =	simm.s32 $0x108;
	s8 =	sld [smem:$0x3FB2]  }
0x2e: {  	s3 =	simm.s32 @!p0 $0x1082;
	s9 =	sld [smem:$0x3FB3]  }
0x2f: {  	lr =	sadd.s32 s0, s3;
	s0 =	sld [smem:$0x3FAA]  }
0x30: {  	s3 =	sld [smem:$0x3FAD]  }
0x31: {  	[smem:$0x3FB6] =	sst s10  }
0x32: {  	s10 =	sld [smem:$0x3FB4];
	_ =	sdelay $0x3  }
0x33: {  	p0 =	seq.s32 s10, $0x1;
	s10 =	sld [smem:$0x3FB6];
	_ =	sdelay $0x3  }
0x34: {  	[smem:$0x3FB6] =	sst s10  }
0x35: {  	s10 =	sld [smem:$0x3FB5];
	_ =	sdelay $0x3  }
0x36: {  	p1 =	seq.s32 s10, $0x1;
	s10 =	sld [smem:$0x3FB6];
	_ =	sdelay $0x3  }
0x37: {  	[smem:$0x3FB6] =	sst s10  }
0x38: {  	s10 =	sld [smem:$0x3FB7]  }
0x39: {  	_ = 	snop;
	(pc) =	sbr.ind lr, $3  }
0x3a: {  	_ = 	snop  }
0x3b: {  	_ = 	snop  }
0x3c: {  	p2 =	seq.s32 s10, $0x1;
	s10 =	sld [smem:$0x3FB6]  }
0x3d: {  	_ =	shalt  }
0x3e: {  	_ =	shalt  }
0x3f: {  	_ =	shalt  }
0x40: {  	_ =	shalt  }
0x41: {  	_ =	shalt  }
0x42: {  	_ =	shalt  }
0x43: {  	_ =	shalt  }
0x44: {  	_ =	shalt  }
0x45: {  	_ =	shalt  }
0x46: {  	_ =	shalt  }
0x47: {  	_ =	shalt  }
0x48: {  	_ =	shalt  }
0x49: {  	_ =	shalt  }
0x4a: {  	_ =	shalt  }
0x4b: {  	_ =	shalt  }
0x4c: {  	_ =	shalt  }
0x4d: {  	_ =	shalt  }
0x4e: {  	_ =	shalt  }
0x4f: {  	_ =	shalt  }
0x50: {  	_ =	shalt  }
0x51: {  	_ =	shalt  }
0x52: {  	_ =	shalt  }
0x53: {  	_ =	shalt  }
0x54: {  	_ =	shalt  }
0x55: {  	_ =	shalt  }
0x56: {  	_ =	shalt  }
0x57: {  	_ =	shalt  }
0x58: {  	_ =	shalt  }
0x59: {  	_ =	shalt  }
0x5a: {  	_ =	shalt  }
0x5b: {  	_ =	shalt  }
0x5c: {  	_ =	shalt  }
0x5d: {  	_ =	shalt  }
0x5e: {  	_ =	shalt  }
0x5f: {  	_ =	shalt  }
0x60: {  	_ =	shalt  }
0x61: {  	_ =	shalt  }
0x62: {  	_ =	shalt  }
0x63: {  	_ =	shalt  }
0x64: {  	_ =	shalt  }
0x65: {  	_ =	shalt  }
0x66: {  	_ =	shalt  }
0x67: {  	_ =	shalt  }
0x68: {  	_ =	shalt  }
0x69: {  	_ =	shalt  }
0x6a: {  	_ =	shalt  }
0x6b: {  	_ =	shalt  }
0x6c: {  	_ =	shalt  }
0x6d: {  	_ =	shalt  }
0x6e: {  	_ =	shalt  }
0x6f: {  	_ =	shalt  }
0x70: {  	_ =	shalt  }
0x71: {  	_ =	shalt  }
0x72: {  	_ =	shalt  }
0x73: {  	_ =	shalt  }
0x74: {  	_ =	shalt  }
0x75: {  	_ =	shalt  }
0x76: {  	_ =	shalt  }
0x77: {  	_ =	shalt  }
0x78: {  	_ =	shalt  }
0x79: {  	_ =	shalt  }
0x7a: {  	_ =	shalt  }
0x7b: {  	_ =	shalt  }
0x7c: {  	_ =	shalt  }
0x7d: {  	_ =	shalt  }
0x7e: {  	_ =	shalt  }
0x7f: {  	_ =	shalt  }
0x80: {  	_ =	shalt  }
0x81: {  	_ =	shalt  }
0x82: {  	_ =	shalt  }
0x83: {  	_ =	shalt  }
0x84: {  	_ =	shalt  }
0x85: {  	_ =	shalt  }
0x86: {  	_ =	shalt  }
0x87: {  	_ =	shalt  }
.Lfunc_end0:
.L_simem_size_0:
called_computation_lowered:
.L_overlay_start_0:
0x88: {  	s2 =	sld [smem:$0x3FD9]  }
0x89: {  	s3 =	sld [smem:$0x3FFE];
	_ =	sdelay $0x1  }
0x8a: {  	s1 =	srdreg.scid  }
0x8b: {  	s0 =	sand.u32 $0x1, s1  }
0x8c: {  	s17 =	sshll.u32 s0, $0xA;
	s2 =	sadd.s32 s3, s2  }
0x8d: {  	s2 =	sadd.s32 s2, s17  }
0x8e: {  	[smem:$0x3FC2] =	sst s2  }
0x8f: {  	_ = 	snop  }
0x90: {  	s2 =	sld [smem:$0x3FD0];
	(tm) =	ssettm $0x1  }
0x91: {  	s18 =	sld [smem:$0x3FFB];
	_ =	sdelay $0x3  }
0x92: {  	_ =	strace s18  }
0x93: {  	s3 =	sld [smem:$0x3FFC];
	_ =	sdelay $0x3  }
0x94: {  	_ =	strace s3  }
0x95: {  	s3 =	sld [smem:$0x3FFD];
	_ =	sdelay $0x3  }
0x96: {  	_ =	strace s3  }
0x97: {  	_ =	strace $0x8FFFFFFF  }
0x98: {  	s19 =	sld [smem:$0x3FDB];
	_ =	sdelay $0x1  }
0x99: {  	s4 =	simm.s32 $_scs_section_size  }
0x9a: {  	s5 =	simm.s32 $_size__tile_overlayer_lowered;
	s6 =	simm.s32 $_tile_overlayer_lowered  }
0x9b: {  	s22 =	simm.s32 $0x1BFF;
	s21 =	sshll.u32 s6, $0x1;
	s3 =	sadd.s32 s4, s19  }
0x9c: {  	s7 =	simm.s32 $0x0;
	s20 =	sshll.u32 s5, $0x1;
	s5 =	sadd.s32 s21, s3  }
0x9d: {  	[timem:s7], [sflag:s22] =	dma.local [hbm:s5], s20  }
0x9e: {  	_ =	swait.ge [sflag:s22], s20  }
0x9f: {  	s4 =	ssub.s32 $0x0, s20;
	[sflag:s22] =	ssyncset.done $0x0  }
0xa0: {  	[sflag:s22] =	ssyncadd.s32 s4;
	_ =	sdelay $0x1  }
0xa1: {  	s23 =	simm.s32 $0x1B8B  }
0xa2: {  	_ =	swait.ge [sflag:s23], $0x1  }
0xa3: {  	[sflag:s23] =	ssyncset.done $0x0  }
0xa4: {  	s25 =	simm.s32 $0x1B8E;
	s24 =	sld [smem:$0x3FFE];
	[sflag:s23] =	ssyncadd.s32 $0xFFFFFFFF  }
0xa5: {  	s26 =	simm.s32 $execute0_lowered;
	[smem:$0x3FD2] =	sst s25  }
0xa6: {  	s5 =	sshll.u32 s26, $0x1;
	_ =	strace $0x80000046;
	[dreg:$0x1] =	wrdreg $0xFFFFFFFF  }
0xa7: {  	s28 =	simm.s32 $_size_execute0_lowered;
	s3 =	sadd.s32 s3, s5;
	[dreg:$0x0] =	wrdreg $0x0  }
0xa8: {  	s5 =	sshll.u32 s28, $0x1;
	[dreg:$0x2] =	wrdreg s3  }
0xa9: {  	[dreg:$0x3] =	wrdreg s5  }
0xaa: {  	[dreg:$0x4] =	wrdreg $0xC0  }
0xab: {  	_ =	task [dreg:s7], $0x5FFFF  }
0xac: {  	[dreg:$0x1] =	wrdreg $0xFFFFFFFF  }
0xad: {  	[dreg:$0x0] =	wrdreg $0x60  }
0xae: {  	[dreg:$0x2] =	wrdreg s24  }
0xaf: {  	[dreg:$0x3] =	wrdreg s2  }
0xb0: {  	[dreg:$0x4] =	wrdreg $0x5000  }
0xb1: {  	[dreg:$0x5] =	wrdreg $0x9  }
0xb2: {  	_ =	task.clear_ibuf [dreg:s7], $0x6FFFF;
	_ =	strace $0x90000046  }
0xb3: {  	s29 =	simm.s32 $0x9;
	_ =	strace $0x80000048  }
0xb4: {  	_ =	swait.ge [sflag:s29], $0x1  }
0xb5: {  	[sflag:s29] =	ssyncadd.s32 $0xFFFFFFFF  }
0xb6: {  	_ =	strace $0x90000048  }
0xb7: {  	_ =	sfence  }
0xb8: {  	s30 =	sld [smem:$0x0];
	_ =	sdelay $0x2  }
0xb9: {  	s31 =	sshll.u32 s1, $0xD;
	s1 =	sshrl.u32 s1, $0x2  }
0xba: {  	s3 =	sand.u32 $0x4000, s31;
	s1 =	sadd.s32 s1, s30  }
0xbb: {  	s0 =	sor.u32 s3, s0;
	s1 =	sshll.u32 s1, $0x11  }
0xbc: {  	s0 =	sor.u32 s1, s0  }
0xbd: {  	s0 =	sadd.s32 $0x8F2B, s0  }
0xbe: {  	[sflag:s0] =	ssyncadd.remote.s32 $0x1  }
0xbf: {  	_ =	sfence.sel $0xFFFF  }
0xc0: {  	[dreg:$0x0] =	wrdreg $0xFFFFFFFF;
	(pc) =	sbr.abs _section_cstart, $3  }
0xc1: {  	[dreg:$0x1] =	wrdreg $0xFFFFFFFF  }
0xc2: {  	_ =	task.clear_ibuf [dreg:s7], $0x2FFFF;
	_ =	strace $0x9FFFFFFF  }
0xc3: {  	(tm) =	ssettm $0x7FFFFFFF  }
tec
execute0_lowered:
.L_overlay_start_1:
0x0: {  	(tag) =	ssettag $0x1  }
0x1: {  	s4 =	rddreg [dreg:$0x0]  }
0x2: {  	s1 =	srdreg.scid;
	s6 =	rddreg [dreg:$0x1]  }
0x3: {  	s0 =	stileid.u32;
	s2 =	rddreg [dreg:$0x2]  }
0x4: {  	s3 =	simm.s32 $0x0;
	s11 =	simm.s32 $0x80;
	s12 =	simm.s32 $0x0  }
0x5: {  	s5 =	sand.u32 $0x1, s1;
	s8 =	sshll.u32 s0, $0x7;
	s1 =	rddreg [dreg:$0x3]  }
0x6: {  	[smem:$0x7FF] =	sst s3;
	s10 =	sshll.u32 s0, $0xA;
	s7 =	sshll.u32 s5, $0xB  }
0x7: {  	s26 =	ssub.s32 $0x2, s5;
	_ =	strace $0x80000047;
	s29 =	sshll.u32 s5, $0x4  }
0x8: {  	s5 =	sshll.u32 s5, $0xE;
	s7 =	sor.u32 s8, s7;
	s28 =	sshrl.u32 s26, $0x1  }
0x9: {  	s30 =	sor.u32 s0, s29;
	s5 =	sor.u32 s10, s5;
	s7 =	sshrl.u32 s7, $0x3  }
0xa: {  	s8 =	ssub.s32 s26, s28;
	p0 =	slt.u32 s30, $0x4;
	s31 =	sshrl.u32 s5, $0x3  }
0xb: {  	s5 =	sadd.s32 s10, s2;
	s10 =	simm.s32 $0x1;
	s9 =	sadd.s32 s7, s4  }
0xc: {  	s4 =	simm.s32 $0x4F;
	s6 =	sadd.s32 s6, s31;
	s7 =	smax.u32 s8, $0x1  }
0xd: {  	v0 =	vimm.f32 $0.0e+00;
	v1 =	vimm.f32 $1.000000000e+00;
	s4 =	simm.s32 @!p0 $0x4E;
	s8 =	sadd.s32 $0xB800, s9;
	s9 =	simm.s32 $0x100  }
.LBB2_1:
0xe: {  	s13 =	simm.s32 $0x40;
	s14 =	simm.s32 $0x0  }
.LBB2_2:
0xf: {  	p0 =	sne.s32 s13, $0xFC0;
	[tilespmem:s14+$0x100] =	vst v0;
	s14 =	smov.u32 s13;
	s13 =	sadd.s32 $0x40, s13  }
.Ltmp0:
0x10: {  	(pc) =	sbr.rel @p0 .LBB2_2-.Ltmp0, $2  }
0x11: {  	_ =	sdelay $0x2  }
0x12: {  	s14 =	sshra.s32 s14, $0x2  }
0x13: {  	[tilespmem:s14+$0x100] =	vst v0  }
0x14: {  	[tilespmem:$0x80] =	vst v1  }
0x15: {  	[tilespmem:$0x90] =	vst v1  }
0x16: {  	[tilespmem:$0xA0] =	vst v1  }
0x17: {  	[tilespmem:$0xB0] =	vst v1  }
0x18: {  	[tilespmem:$0xC0] =	vst v1  }
0x19: {  	[tilespmem:$0xD0] =	vst v1  }
0x1a: {  	[tilespmem:$0xE0] =	vst v1  }
0x1b: {  	[tilespmem:$0xF0] =	vst v1  }
0x1c: {  	[spmem:s5] =	stream.linear.scatter [tilespmem:s9], [sflag:$0x1], $0x400, $0x38;
	[tilespmem:$0x900] =	vst v63  }
0x1d: {  	_ =	swait.ge [sflag:s10], $0x400  }
0x1e: {  	[sflag:s10] =	ssyncset.done $0x0  }
0x1f: {  	[sflag:s10] =	ssyncadd.s32 $0xFFFFFC00  }
0x20: {  	[bflag:$0x0] =	sbarrier.arrive $0xFFFF  }
0x21: {  	[tilespmem:s3], [sflag:$0x1] =	stream.linear.gather [hbm4b:s8+s3], $0x80, $0x38;
	[tilespmem:$0x900] =	vst v63  }
0x22: {  	p0 =	sne.s32 s4, $0x1;
	_ =	swait.ge [sflag:s10], $0x80  }
.Ltmp1:
0x23: {  	[sflag:s10] =	ssyncset.done $0x0;
	(pc) =	sbr.rel @!p0 .LBB2_5-.Ltmp1, $4  }
0x24: {  	[sflag:s10] =	ssyncadd.s32 $0xFFFFFF80  }
0x25: {  	[spmem:s2] =	stream.indirect.scatter.add.f32 [tilespmem:s11], [sflag:$0x1], $0x1, s3, s11, $0xb8;
	[tilespmem:$0x900] =	vst v63  }
0x26: {  	_ =	swait.ge [sflag:s10], $0x80  }
0x27: {  	s13 =	sadd.s32 $0xFFFFFFFF, s4;
	s14 =	smov.u32 s8;
	[sflag:s10] =	ssyncset.done $0x0  }
.LBB2_4:
0x28: {  	p0 =	sne.s32 s13, $0x1;
	[sflag:s10] =	ssyncadd.s32 $0xFFFFFF80;
	s14 =	sadd.s32 $0x200, s14  }
0x29: {  	[tilespmem:s3], [sflag:$0x1] =	stream.linear.gather [hbm4b:s14+s3], $0x80, $0x38;
	[tilespmem:$0x900] =	vst v63  }
0x2a: {  	s13 =	sadd.s32 $0xFFFFFFFF, s13;
	_ =	swait.ge [sflag:s10], $0x80  }
.Ltmp2:
0x2b: {  	[sflag:s10] =	ssyncset.done $0x0;
	(pc) =	sbr.rel @p0 .LBB2_4-.Ltmp2, $4  }
0x2c: {  	[sflag:s10] =	ssyncadd.s32 $0xFFFFFF80  }
0x2d: {  	[spmem:s2] =	stream.indirect.scatter.add.f32 [tilespmem:s11], [sflag:$0x1], $0x1, s3, s11, $0xb8;
	[tilespmem:$0x900] =	vst v63  }
0x2e: {  	_ =	swait.ge [sflag:s10], $0x80  }
0x2f: {  	[sflag:s10] =	ssyncset.done $0x0  }
.LBB2_5:
0x30: {  	[sflag:s10] =	ssyncadd.s32 $0xFFFFFF80  }
0x31: {  	[bflag:$0x0] =	sbarrier.arrive $0xFFFF  }
0x32: {  	[tilespmem:s9], [sflag:$0x1] =	stream.linear.gather [spmem:s5], $0x400, $0x38;
	[tilespmem:$0x900] =	vst v63  }
0x33: {  	s12 =	sadd.s32 $0x1, s12;
	_ =	swait.ge [sflag:s10], $0x400  }
0x34: {  	p0 =	sne.s32 s12, s7;
	[sflag:s10] =	ssyncset.done $0x0  }
.Ltmp3:
0x35: {  	[sflag:s10] =	ssyncadd.s32 $0xFFFFFC00;
	(pc) =	sbr.rel @p0 .LBB2_1-.Ltmp3, $4  }
0x36: {  	[hbm4b:s6+s3] =	stream.linear.scatter [tilespmem:s9], [sflag:$0x1], $0x400, $0x38;
	[tilespmem:$0x900] =	vst v63  }
0x37: {  	_ =	swait.ge [sflag:s10], $0x400  }
0x38: {  	[sflag:s10] =	ssyncset.done $0x0  }
0x39: {  	[sflag:s10] =	ssyncadd.s32 $0xFFFFFC00  }
0x3a: {  	_ =	sfence.sel $0x180000  }
0x3b: {  	[bflag:$0x0] =	sbarrier.arrive $0xFFFF  }
0x3c: {  	p0 =	sne.s32 s0, $0x0;
	_ =	strace $0x90000047  }
0x3d: {  	s0 =	sadd.s32 @!p0 $0x100000, s1;
	[bflag:$0x2] =	sbarrier.arrive $0xFFFF  }
0x3e: {  	[sflag:s0] =	ssyncadd.tile.s32 @!p0 $0x1;
	_ =	shalt  }
.Lfunc_end2:
_tile_overlayer_lowered:
.L_overlay_start_2:
0x3f: {  	(tag) =	ssettag $0x2  }
0x40: {  	s0 =	rddreg [dreg:$0x0];
	s2 =	stileid.u32  }
0x41: {  	s1 =	rddreg [dreg:$0x1];
	p0 =	sne.s32 s2, $0x0  }
0x42: {  	s3 =	rddreg [dreg:$0x2];
	[bflag:$0x3] =	sbarrier.arrive $0xFFFF;
	s2 =	simm.s32 @!p0 $0x1C01  }
0x43: {  	[timem:s3], [sflag:s2] =	dma.local @!p0 [hbm:s0], s1  }
0x44: {  	s0 =	simm.s32 @!p0 $0x1  }
0x45: {  	_ =	swait.ge @!p0 [sflag:s0], s1  }
0x46: {  	s1 =	ssub.s32 @!p0 $0x0, s1;
	[sflag:s0] =	ssyncset.done @!p0 $0x0  }
0x47: {  	[sflag:s0] =	ssyncadd.s32 @!p0 s1  }
0x48: {  	[bflag:$0x3] =	sbarrier.arrive $0xFFFF  }
0x49: {  	_ =	shalt  }

</sc_bundles>
